<compile_context>
chip_gen: v7x
topology: tpu7x:2x2x1
jax: 0.10.2.dev20260603
libtpu: 0.0.44.dev20260713+nightly
codegen_flags: <defaults>
</compile_context>

<pallas_src>
import functools

import jax
import jax.numpy as jnp
from jax import lax
from jax.experimental import pallas as pl
from jax.experimental.pallas import tpu as pltpu
from jax.experimental.pallas import tpu_sc as plsc

NUM_HEADS = 32
NUM_BUCKETS = 32
SEQ = 2048
L = 16

_THRESH = (19, 21, 24, 27, 31, 35, 40, 46, 52, 59, 67, 77, 87, 99, 113)

NROWS = 16
GLEN = 2 * SEQ + L
NBLK = SEQ // NROWS
NJJ = 31
NXS = 256


def _body(table_hbm, out_hbm, tab_v, g_v, fs_v, sem):
    nc = 2
    h = lax.axis_index("s") * nc + lax.axis_index("c")
    pltpu.sync_copy(table_hbm, tab_v)
    iota = lax.iota(jnp.int32, L)
    h_vec = jnp.full((L,), h, dtype=jnp.int32)
    ones = jnp.full((L,), 1, dtype=jnp.int32)
    zeros = jnp.full((L,), 0, dtype=jnp.int32)

    def build_g(a, carry):
        t = a * L + iota
        d = jnp.maximum((SEQ - 1) - t, 0)
        acc = jnp.full((L,), 16, dtype=jnp.int32)
        for thr in _THRESH:
            acc = acc + jnp.where(d >= thr, ones, zeros)
        bucket = jnp.where(d < 16, d, acc)
        g_v[pl.ds(a * L, L)] = plsc.load_gather(
            tab_v, [bucket * NUM_HEADS + h_vec])
        return carry

    lax.fori_loop(0, GLEN // L, build_g, None)

    def build_fs(m, carry):
        jj = m >> 3
        il = m & 7
        base = 128 * jj + 7 - il
        for k in range(NXS // L):
            fs_v[jj, il, pl.ds(k * L, L)] = plsc.load_gather(
                g_v, [base + k * L + iota])
        return carry

    DEPTH = 4

    def send(blk, carry):
        c = (SEQ - NROWS) - blk * NROWS
        cq = c >> 7
        cr = pl.multiple_of(c & 127, 16)
        cr8 = pl.multiple_of((c & 127) + 8, 8)
        pltpu.async_copy(fs_v.at[pl.ds(cq, 16), :, pl.ds(cr8, 128)],
                         out_hbm.at[h, 2 * blk, :, :, :], sem)
        pltpu.async_copy(fs_v.at[pl.ds(cq, 16), :, pl.ds(cr, 128)],
                         out_hbm.at[h, 2 * blk + 1, :, :, :], sem)

        @pl.when(blk >= DEPTH)
        def _wait_older():
            for _ in range(2):
                pltpu.make_async_copy(
                    fs_v.at[pl.ds(0, 16), :, pl.ds(0, 128)],
                    out_hbm.at[h, 0, :, :, :], sem).wait()

        return carry

    lax.fori_loop(0, NJJ * 8, build_fs, None)
    lax.fori_loop(0, NBLK, send, None)
    for _ in range(2 * DEPTH):
        pltpu.make_async_copy(fs_v.at[pl.ds(0, 16), :, pl.ds(0, 128)],
                              out_hbm.at[h, 0, :, :, :], sem).wait()


def kernel(seq_len, bias_table):
    del seq_len
    run = functools.partial(
        pl.kernel,
        mesh=plsc.VectorSubcoreMesh(core_axis_name="c", subcore_axis_name="s"),
        compiler_params=pltpu.CompilerParams(
            needs_layout_passes=False, use_tc_tiling_on_sc=False),
        out_type=jax.ShapeDtypeStruct(
            (NUM_HEADS, SEQ // 8, SEQ // 128, 8, 128), jnp.float32),
        scratch_types=[
            pltpu.VMEM((NUM_BUCKETS * NUM_HEADS,), jnp.float32),
            pltpu.VMEM((GLEN,), jnp.float32),
            pltpu.VMEM((NJJ, 8, NXS), jnp.float32),
            pltpu.SemaphoreType.DMA,
        ],
    )(_body)
    tiled = run(bias_table.reshape(-1))
    rows = jnp.transpose(tiled, (0, 1, 3, 2, 4))
    return rows.reshape(NUM_HEADS, SEQ, SEQ)[None]

# --- scband reference (transcript-rebuilt; emitter-appended) ---
"""Pipeline reference for scband-relative-position-bias-14096082666143 (READ-ONLY COPY).

The authoritative reference and input builder live on the scoring server;
editing this copy changes nothing except your own understanding.
"""

import jax, jax.numpy as jnp
import numpy as np
import math

NUM_HEADS = 32
NUM_BUCKETS = 32
MAX_DISTANCE = 128
BIDIRECTIONAL = False
SEQ_LEN = 2048


def _relative_position_bucket(relative_position):
    num_buckets = NUM_BUCKETS
    max_distance = MAX_DISTANCE
    # unidirectional (bidirectional=False)
    relative_position = -jnp.minimum(relative_position, jnp.zeros_like(relative_position))
    max_exact = num_buckets // 2
    is_small = relative_position < max_exact
    rp_safe = jnp.maximum(relative_position, 1)  # avoid log(0); masked by where
    relative_position_if_large = max_exact + (
        jnp.log(rp_safe.astype(jnp.float32) / max_exact)
        / math.log(max_distance / max_exact)
        * (num_buckets - max_exact)
    ).astype(jnp.int32)
    relative_position_if_large = jnp.minimum(
        relative_position_if_large,
        jnp.full_like(relative_position_if_large, num_buckets - 1),
    )
    return jnp.where(is_small, relative_position, relative_position_if_large)


def setup_inputs(seed: int = 0) -> dict:
    key = jax.random.key(seed)
    bias_table = jax.random.normal(key, (NUM_BUCKETS, NUM_HEADS), dtype=jnp.float32) * 0.02
    return {"seq_len": 2048, "bias_table": bias_table}


def reference(seq_len, bias_table):
    offset = (jnp.asarray(seq_len) - SEQ_LEN).astype(jnp.int32)
    context_position = (jnp.arange(SEQ_LEN, dtype=jnp.int32) + offset)[:, None]
    memory_position = (jnp.arange(SEQ_LEN, dtype=jnp.int32) + offset)[None, :]
    relative_position = memory_position - context_position
    buckets = _relative_position_bucket(relative_position)
    values = jnp.take(bias_table, buckets, axis=0)  # [S, S, H]
    values = jnp.transpose(values, (2, 0, 1))[None, ...]  # [1, H, S, S]
    return values

if __name__ == "__main__":
    import jax
    _d = setup_inputs()
    print(jax.jit(kernel)(*tuple(_d.values())))

</pallas_src>

<mosaic_0001>
#map = affine_map<(d0, d1) -> (0)>
#map1 = affine_map<(d0, d1) -> (0, 0, 0, 0, 0)>
module attributes {stable_mosaic.version = 14 : i64} {
  func.func @_body(%arg0: i32, %arg1: i32, %arg2: memref<1024xf32, #tpu.memory_space<hbm>>, %arg3: memref<32x256x16x8x128xf32, #tpu.memory_space<hbm>>, %arg4: memref<1024xf32, #tpu.memory_space<vmem>>, %arg5: memref<4112xf32, #tpu.memory_space<vmem>>, %arg6: memref<31x8x256xf32, #tpu.memory_space<vmem>>, %arg7: memref<!tpu.dma_semaphore, #tpu.memory_space<semaphore_mem>>) attributes {dimension_semantics = [#tpu.dimension_semantics<core_parallel>, #tpu.dimension_semantics<subcore_parallel>], iteration_bounds = array<i64: 2, 16>, scalar_prefetch = 0 : i64, scratch_operands = 4 : i64, tpu.core_type = #tpu.core_type<sc_vector_subcore>, window_params = [{transform_indices = #map}, {transform_indices = #map1}]} {
    %mul3A = arith.constant 2 : i32
    %mul3A_0 = arith.muli %arg1, %mul3A : i32
    %add3A = arith.addi %mul3A_0, %arg0 : i32
    "tpu.region"() ({
      %run_scoped3A = tpu.sem_alloc : memref<!tpu.dma_semaphore, #tpu.memory_space<semaphore_mem>>
      tpu.enqueue_dma source(%arg2 : memref<1024xf32, #tpu.memory_space<hbm>>) target(%arg4 : memref<1024xf32, #tpu.memory_space<vmem>>) target_semaphore(%run_scoped3A : memref<!tpu.dma_semaphore, #tpu.memory_space<semaphore_mem>>)
      tpu.wait_dma2 semaphore(%run_scoped3A : memref<!tpu.dma_semaphore, #tpu.memory_space<semaphore_mem>>) src(%arg2 : memref<1024xf32, #tpu.memory_space<hbm>>) dst(%arg4 : memref<1024xf32, #tpu.memory_space<vmem>>)
      tpu.yield
    }) : () -> ()
    %iota3A = tpu.iota {dimensions = array<i32: 0>} : vector<16xi32>
    %broadcast_in_dim3A = vector.broadcast %add3A : i32 to vector<16xi32>
    %broadcast_in_dim3A_1 = arith.constant 1 : i32
    %broadcast_in_dim3A_2 = vector.broadcast %broadcast_in_dim3A_1 : i32 to vector<16xi32>
    %broadcast_in_dim3A_3 = arith.constant 0 : i32
    %broadcast_in_dim3A_4 = vector.broadcast %broadcast_in_dim3A_3 : i32 to vector<16xi32>
    %scan3A = arith.constant 0 : i32
    %scan3A_5 = arith.constant 257 : i32
    %scan3A_6 = arith.addi %scan3A, %scan3A_5 : i32
    %scan3A_7 = arith.constant 1 : i32
    scf.for %scan3A_170 = %scan3A to %scan3A_6 step %scan3A_7  : i32 {
      %mul3A_171 = arith.constant 16 : i32
      %mul3A_172 = arith.muli %scan3A_170, %mul3A_171 : i32
      %add3A_173 = vector.broadcast %mul3A_172 : i32 to vector<16xi32>
      %add3A_174 = arith.addi %add3A_173, %iota3A : vector<16xi32>
      %sub3A = arith.constant 2047 : i32
      %sub3A_175 = vector.broadcast %sub3A : i32 to vector<16xi32>
      %sub3A_176 = arith.subi %sub3A_175, %add3A_174 : vector<16xi32>
      %max3A = arith.constant 0 : i32
      %max3A_177 = vector.broadcast %max3A : i32 to vector<16xi32>
      %max3A_178 = arith.maxsi %sub3A_176, %max3A_177 : vector<16xi32>
      %broadcast_in_dim3A_179 = arith.constant 16 : i32
      %broadcast_in_dim3A_180 = vector.broadcast %broadcast_in_dim3A_179 : i32 to vector<16xi32>
      %ge3A = arith.constant 19 : i32
      %ge3A_181 = vector.broadcast %ge3A : i32 to vector<16xi32>
      %ge3A_182 = arith.cmpi sge, %max3A_178, %ge3A_181 : vector<16xi32>
      %select_n3A = arith.select %ge3A_182, %broadcast_in_dim3A_2, %broadcast_in_dim3A_4 : vector<16xi1>, vector<16xi32>
      %add3A_183 = arith.addi %broadcast_in_dim3A_180, %select_n3A : vector<16xi32>
      %ge3A_184 = arith.constant 21 : i32
      %ge3A_185 = vector.broadcast %ge3A_184 : i32 to vector<16xi32>
      %ge3A_186 = arith.cmpi sge, %max3A_178, %ge3A_185 : vector<16xi32>
      %select_n3A_187 = arith.select %ge3A_186, %broadcast_in_dim3A_2, %broadcast_in_dim3A_4 : vector<16xi1>, vector<16xi32>
      %add3A_188 = arith.addi %add3A_183, %select_n3A_187 : vector<16xi32>
      %ge3A_189 = arith.constant 24 : i32
      %ge3A_190 = vector.broadcast %ge3A_189 : i32 to vector<16xi32>
      %ge3A_191 = arith.cmpi sge, %max3A_178, %ge3A_190 : vector<16xi32>
      %select_n3A_192 = arith.select %ge3A_191, %broadcast_in_dim3A_2, %broadcast_in_dim3A_4 : vector<16xi1>, vector<16xi32>
      %add3A_193 = arith.addi %add3A_188, %select_n3A_192 : vector<16xi32>
      %ge3A_194 = arith.constant 27 : i32
      %ge3A_195 = vector.broadcast %ge3A_194 : i32 to vector<16xi32>
      %ge3A_196 = arith.cmpi sge, %max3A_178, %ge3A_195 : vector<16xi32>
      %select_n3A_197 = arith.select %ge3A_196, %broadcast_in_dim3A_2, %broadcast_in_dim3A_4 : vector<16xi1>, vector<16xi32>
      %add3A_198 = arith.addi %add3A_193, %select_n3A_197 : vector<16xi32>
      %ge3A_199 = arith.constant 31 : i32
      %ge3A_200 = vector.broadcast %ge3A_199 : i32 to vector<16xi32>
      %ge3A_201 = arith.cmpi sge, %max3A_178, %ge3A_200 : vector<16xi32>
      %select_n3A_202 = arith.select %ge3A_201, %broadcast_in_dim3A_2, %broadcast_in_dim3A_4 : vector<16xi1>, vector<16xi32>
      %add3A_203 = arith.addi %add3A_198, %select_n3A_202 : vector<16xi32>
      %ge3A_204 = arith.constant 35 : i32
      %ge3A_205 = vector.broadcast %ge3A_204 : i32 to vector<16xi32>
      %ge3A_206 = arith.cmpi sge, %max3A_178, %ge3A_205 : vector<16xi32>
      %select_n3A_207 = arith.select %ge3A_206, %broadcast_in_dim3A_2, %broadcast_in_dim3A_4 : vector<16xi1>, vector<16xi32>
      %add3A_208 = arith.addi %add3A_203, %select_n3A_207 : vector<16xi32>
      %ge3A_209 = arith.constant 40 : i32
      %ge3A_210 = vector.broadcast %ge3A_209 : i32 to vector<16xi32>
      %ge3A_211 = arith.cmpi sge, %max3A_178, %ge3A_210 : vector<16xi32>
      %select_n3A_212 = arith.select %ge3A_211, %broadcast_in_dim3A_2, %broadcast_in_dim3A_4 : vector<16xi1>, vector<16xi32>
      %add3A_213 = arith.addi %add3A_208, %select_n3A_212 : vector<16xi32>
      %ge3A_214 = arith.constant 46 : i32
      %ge3A_215 = vector.broadcast %ge3A_214 : i32 to vector<16xi32>
      %ge3A_216 = arith.cmpi sge, %max3A_178, %ge3A_215 : vector<16xi32>
      %select_n3A_217 = arith.select %ge3A_216, %broadcast_in_dim3A_2, %broadcast_in_dim3A_4 : vector<16xi1>, vector<16xi32>
      %add3A_218 = arith.addi %add3A_213, %select_n3A_217 : vector<16xi32>
      %ge3A_219 = arith.constant 52 : i32
      %ge3A_220 = vector.broadcast %ge3A_219 : i32 to vector<16xi32>
      %ge3A_221 = arith.cmpi sge, %max3A_178, %ge3A_220 : vector<16xi32>
      %select_n3A_222 = arith.select %ge3A_221, %broadcast_in_dim3A_2, %broadcast_in_dim3A_4 : vector<16xi1>, vector<16xi32>
      %add3A_223 = arith.addi %add3A_218, %select_n3A_222 : vector<16xi32>
      %ge3A_224 = arith.constant 59 : i32
      %ge3A_225 = vector.broadcast %ge3A_224 : i32 to vector<16xi32>
      %ge3A_226 = arith.cmpi sge, %max3A_178, %ge3A_225 : vector<16xi32>
      %select_n3A_227 = arith.select %ge3A_226, %broadcast_in_dim3A_2, %broadcast_in_dim3A_4 : vector<16xi1>, vector<16xi32>
      %add3A_228 = arith.addi %add3A_223, %select_n3A_227 : vector<16xi32>
      %ge3A_229 = arith.constant 67 : i32
      %ge3A_230 = vector.broadcast %ge3A_229 : i32 to vector<16xi32>
      %ge3A_231 = arith.cmpi sge, %max3A_178, %ge3A_230 : vector<16xi32>
      %select_n3A_232 = arith.select %ge3A_231, %broadcast_in_dim3A_2, %broadcast_in_dim3A_4 : vector<16xi1>, vector<16xi32>
      %add3A_233 = arith.addi %add3A_228, %select_n3A_232 : vector<16xi32>
      %ge3A_234 = arith.constant 77 : i32
      %ge3A_235 = vector.broadcast %ge3A_234 : i32 to vector<16xi32>
      %ge3A_236 = arith.cmpi sge, %max3A_178, %ge3A_235 : vector<16xi32>
      %select_n3A_237 = arith.select %ge3A_236, %broadcast_in_dim3A_2, %broadcast_in_dim3A_4 : vector<16xi1>, vector<16xi32>
      %add3A_238 = arith.addi %add3A_233, %select_n3A_237 : vector<16xi32>
      %ge3A_239 = arith.constant 87 : i32
      %ge3A_240 = vector.broadcast %ge3A_239 : i32 to vector<16xi32>
      %ge3A_241 = arith.cmpi sge, %max3A_178, %ge3A_240 : vector<16xi32>
      %select_n3A_242 = arith.select %ge3A_241, %broadcast_in_dim3A_2, %broadcast_in_dim3A_4 : vector<16xi1>, vector<16xi32>
      %add3A_243 = arith.addi %add3A_238, %select_n3A_242 : vector<16xi32>
      %ge3A_244 = arith.constant 99 : i32
      %ge3A_245 = vector.broadcast %ge3A_244 : i32 to vector<16xi32>
      %ge3A_246 = arith.cmpi sge, %max3A_178, %ge3A_245 : vector<16xi32>
      %select_n3A_247 = arith.select %ge3A_246, %broadcast_in_dim3A_2, %broadcast_in_dim3A_4 : vector<16xi1>, vector<16xi32>
      %add3A_248 = arith.addi %add3A_243, %select_n3A_247 : vector<16xi32>
      %ge3A_249 = arith.constant 113 : i32
      %ge3A_250 = vector.broadcast %ge3A_249 : i32 to vector<16xi32>
      %ge3A_251 = arith.cmpi sge, %max3A_178, %ge3A_250 : vector<16xi32>
      %select_n3A_252 = arith.select %ge3A_251, %broadcast_in_dim3A_2, %broadcast_in_dim3A_4 : vector<16xi1>, vector<16xi32>
      %add3A_253 = arith.addi %add3A_248, %select_n3A_252 : vector<16xi32>
      %lt3A = arith.constant 16 : i32
      %lt3A_254 = vector.broadcast %lt3A : i32 to vector<16xi32>
      %lt3A_255 = arith.cmpi slt, %max3A_178, %lt3A_254 : vector<16xi32>
      %select_n3A_256 = arith.select %lt3A_255, %max3A_178, %add3A_253 : vector<16xi1>, vector<16xi32>
      %mul3A_257 = arith.constant 32 : i32
      %mul3A_258 = vector.broadcast %mul3A_257 : i32 to vector<16xi32>
      %mul3A_259 = arith.muli %select_n3A_256, %mul3A_258 : vector<16xi32>
      %add3A_260 = arith.addi %mul3A_259, %broadcast_in_dim3A : vector<16xi32>
      %gather3A = tpu.vector_load_idx %arg4[%add3A_260] : memref<1024xf32, #tpu.memory_space<vmem>>[vector<16xi32>], vector<16xf32>,
      %mul3A_261 = arith.constant 16 : i32
      %mul3A_262 = arith.muli %scan3A_170, %mul3A_261 : i32
      %swap3A = arith.index_cast %mul3A_262 : i32 to index
      %swap3A_263 = tpu.vector_load %arg5[%swap3A] {strides = array<i32>} : memref<4112xf32, #tpu.memory_space<vmem>>, vector<16xf32>,
      tpu.vector_store %arg5[%swap3A], %gather3A {strides = array<i32>} : memref<4112xf32, #tpu.memory_space<vmem>>, vector<16xf32>,
    }
    %scan3A_8 = arith.constant 257 : i32
    %scan3A_9 = arith.constant 0 : i32
    %scan3A_10 = arith.constant 248 : i32
    %scan3A_11 = arith.addi %scan3A_9, %scan3A_10 : i32
    %scan3A_12 = arith.constant 1 : i32
    scf.for %scan3A_170 = %scan3A_9 to %scan3A_11 step %scan3A_12  : i32 {
      %shift_right_arithmetic3A = arith.constant 3 : i32
      %shift_right_arithmetic3A_171 = arith.shrsi %scan3A_170, %shift_right_arithmetic3A : i32
      %and3A = arith.constant 7 : i32
      %and3A_172 = arith.andi %scan3A_170, %and3A : i32
      %mul3A_173 = arith.constant 128 : i32
      %mul3A_174 = arith.muli %mul3A_173, %shift_right_arithmetic3A_171 : i32
      %add3A_175 = arith.constant 7 : i32
      %add3A_176 = arith.addi %mul3A_174, %add3A_175 : i32
      %sub3A = arith.subi %add3A_176, %and3A_172 : i32
      %add3A_177 = arith.constant 0 : i32
      %add3A_178 = arith.addi %sub3A, %add3A_177 : i32
      %add3A_179 = vector.broadcast %add3A_178 : i32 to vector<16xi32>
      %add3A_180 = arith.addi %add3A_179, %iota3A : vector<16xi32>
      %gather3A = tpu.vector_load_idx %arg5[%add3A_180] : memref<4112xf32, #tpu.memory_space<vmem>>[vector<16xi32>], vector<16xf32>,
      %swap3A = arith.index_cast %shift_right_arithmetic3A_171 : i32 to index
      %swap3A_181 = arith.index_cast %and3A_172 : i32 to index
      %swap3A_182 = arith.constant 0 : index
      %swap3A_183 = tpu.vector_load %arg6[%swap3A, %swap3A_181, %swap3A_182] {strides = array<i32>} : memref<31x8x256xf32, #tpu.memory_space<vmem>>, vector<16xf32>,
      tpu.vector_store %arg6[%swap3A, %swap3A_181, %swap3A_182], %gather3A {strides = array<i32>} : memref<31x8x256xf32, #tpu.memory_space<vmem>>, vector<16xf32>,
      %add3A_184 = arith.constant 16 : i32
      %add3A_185 = arith.addi %sub3A, %add3A_184 : i32
      %add3A_186 = vector.broadcast %add3A_185 : i32 to vector<16xi32>
      %add3A_187 = arith.addi %add3A_186, %iota3A : vector<16xi32>
      %gather3A_188 = tpu.vector_load_idx %arg5[%add3A_187] : memref<4112xf32, #tpu.memory_space<vmem>>[vector<16xi32>], vector<16xf32>,
      %swap3A_189 = arith.index_cast %shift_right_arithmetic3A_171 : i32 to index
      %swap3A_190 = arith.index_cast %and3A_172 : i32 to index
      %swap3A_191 = arith.constant 16 : index
      %swap3A_192 = tpu.vector_load %arg6[%swap3A_189, %swap3A_190, %swap3A_191] {strides = array<i32>} : memref<31x8x256xf32, #tpu.memory_space<vmem>>, vector<16xf32>,
      tpu.vector_store %arg6[%swap3A_189, %swap3A_190, %swap3A_191], %gather3A_188 {strides = array<i32>} : memref<31x8x256xf32, #tpu.memory_space<vmem>>, vector<16xf32>,
      %add3A_193 = arith.constant 32 : i32
      %add3A_194 = arith.addi %sub3A, %add3A_193 : i32
      %add3A_195 = vector.broadcast %add3A_194 : i32 to vector<16xi32>
      %add3A_196 = arith.addi %add3A_195, %iota3A : vector<16xi32>
      %gather3A_197 = tpu.vector_load_idx %arg5[%add3A_196] : memref<4112xf32, #tpu.memory_space<vmem>>[vector<16xi32>], vector<16xf32>,
      %swap3A_198 = arith.index_cast %shift_right_arithmetic3A_171 : i32 to index
      %swap3A_199 = arith.index_cast %and3A_172 : i32 to index
      %swap3A_200 = arith.constant 32 : index
      %swap3A_201 = tpu.vector_load %arg6[%swap3A_198, %swap3A_199, %swap3A_200] {strides = array<i32>} : memref<31x8x256xf32, #tpu.memory_space<vmem>>, vector<16xf32>,
      tpu.vector_store %arg6[%swap3A_198, %swap3A_199, %swap3A_200], %gather3A_197 {strides = array<i32>} : memref<31x8x256xf32, #tpu.memory_space<vmem>>, vector<16xf32>,
      %add3A_202 = arith.constant 48 : i32
      %add3A_203 = arith.addi %sub3A, %add3A_202 : i32
      %add3A_204 = vector.broadcast %add3A_203 : i32 to vector<16xi32>
      %add3A_205 = arith.addi %add3A_204, %iota3A : vector<16xi32>
      %gather3A_206 = tpu.vector_load_idx %arg5[%add3A_205] : memref<4112xf32, #tpu.memory_space<vmem>>[vector<16xi32>], vector<16xf32>,
      %swap3A_207 = arith.index_cast %shift_right_arithmetic3A_171 : i32 to index
      %swap3A_208 = arith.index_cast %and3A_172 : i32 to index
      %swap3A_209 = arith.constant 48 : index
      %swap3A_210 = tpu.vector_load %arg6[%swap3A_207, %swap3A_208, %swap3A_209] {strides = array<i32>} : memref<31x8x256xf32, #tpu.memory_space<vmem>>, vector<16xf32>,
      tpu.vector_store %arg6[%swap3A_207, %swap3A_208, %swap3A_209], %gather3A_206 {strides = array<i32>} : memref<31x8x256xf32, #tpu.memory_space<vmem>>, vector<16xf32>,
      %add3A_211 = arith.constant 64 : i32
      %add3A_212 = arith.addi %sub3A, %add3A_211 : i32
      %add3A_213 = vector.broadcast %add3A_212 : i32 to vector<16xi32>
      %add3A_214 = arith.addi %add3A_213, %iota3A : vector<16xi32>
      %gather3A_215 = tpu.vector_load_idx %arg5[%add3A_214] : memref<4112xf32, #tpu.memory_space<vmem>>[vector<16xi32>], vector<16xf32>,
      %swap3A_216 = arith.index_cast %shift_right_arithmetic3A_171 : i32 to index
      %swap3A_217 = arith.index_cast %and3A_172 : i32 to index
      %swap3A_218 = arith.constant 64 : index
      %swap3A_219 = tpu.vector_load %arg6[%swap3A_216, %swap3A_217, %swap3A_218] {strides = array<i32>} : memref<31x8x256xf32, #tpu.memory_space<vmem>>, vector<16xf32>,
      tpu.vector_store %arg6[%swap3A_216, %swap3A_217, %swap3A_218], %gather3A_215 {strides = array<i32>} : memref<31x8x256xf32, #tpu.memory_space<vmem>>, vector<16xf32>,
      %add3A_220 = arith.constant 80 : i32
      %add3A_221 = arith.addi %sub3A, %add3A_220 : i32
      %add3A_222 = vector.broadcast %add3A_221 : i32 to vector<16xi32>
      %add3A_223 = arith.addi %add3A_222, %iota3A : vector<16xi32>
      %gather3A_224 = tpu.vector_load_idx %arg5[%add3A_223] : memref<4112xf32, #tpu.memory_space<vmem>>[vector<16xi32>], vector<16xf32>,
      %swap3A_225 = arith.index_cast %shift_right_arithmetic3A_171 : i32 to index
      %swap3A_226 = arith.index_cast %and3A_172 : i32 to index
      %swap3A_227 = arith.constant 80 : index
      %swap3A_228 = tpu.vector_load %arg6[%swap3A_225, %swap3A_226, %swap3A_227] {strides = array<i32>} : memref<31x8x256xf32, #tpu.memory_space<vmem>>, vector<16xf32>,
      tpu.vector_store %arg6[%swap3A_225, %swap3A_226, %swap3A_227], %gather3A_224 {strides = array<i32>} : memref<31x8x256xf32, #tpu.memory_space<vmem>>, vector<16xf32>,
      %add3A_229 = arith.constant 96 : i32
      %add3A_230 = arith.addi %sub3A, %add3A_229 : i32
      %add3A_231 = vector.broadcast %add3A_230 : i32 to vector<16xi32>
      %add3A_232 = arith.addi %add3A_231, %iota3A : vector<16xi32>
      %gather3A_233 = tpu.vector_load_idx %arg5[%add3A_232] : memref<4112xf32, #tpu.memory_space<vmem>>[vector<16xi32>], vector<16xf32>,
      %swap3A_234 = arith.index_cast %shift_right_arithmetic3A_171 : i32 to index
      %swap3A_235 = arith.index_cast %and3A_172 : i32 to index
      %swap3A_236 = arith.constant 96 : index
      %swap3A_237 = tpu.vector_load %arg6[%swap3A_234, %swap3A_235, %swap3A_236] {strides = array<i32>} : memref<31x8x256xf32, #tpu.memory_space<vmem>>, vector<16xf32>,
      tpu.vector_store %arg6[%swap3A_234, %swap3A_235, %swap3A_236], %gather3A_233 {strides = array<i32>} : memref<31x8x256xf32, #tpu.memory_space<vmem>>, vector<16xf32>,
      %add3A_238 = arith.constant 112 : i32
      %add3A_239 = arith.addi %sub3A, %add3A_238 : i32
      %add3A_240 = vector.broadcast %add3A_239 : i32 to vector<16xi32>
      %add3A_241 = arith.addi %add3A_240, %iota3A : vector<16xi32>
      %gather3A_242 = tpu.vector_load_idx %arg5[%add3A_241] : memref<4112xf32, #tpu.memory_space<vmem>>[vector<16xi32>], vector<16xf32>,
      %swap3A_243 = arith.index_cast %shift_right_arithmetic3A_171 : i32 to index
      %swap3A_244 = arith.index_cast %and3A_172 : i32 to index
      %swap3A_245 = arith.constant 112 : index
      %swap3A_246 = tpu.vector_load %arg6[%swap3A_243, %swap3A_244, %swap3A_245] {strides = array<i32>} : memref<31x8x256xf32, #tpu.memory_space<vmem>>, vector<16xf32>,
      tpu.vector_store %arg6[%swap3A_243, %swap3A_244, %swap3A_245], %gather3A_242 {strides = array<i32>} : memref<31x8x256xf32, #tpu.memory_space<vmem>>, vector<16xf32>,
      %add3A_247 = arith.constant 128 : i32
      %add3A_248 = arith.addi %sub3A, %add3A_247 : i32
      %add3A_249 = vector.broadcast %add3A_248 : i32 to vector<16xi32>
      %add3A_250 = arith.addi %add3A_249, %iota3A : vector<16xi32>
      %gather3A_251 = tpu.vector_load_idx %arg5[%add3A_250] : memref<4112xf32, #tpu.memory_space<vmem>>[vector<16xi32>], vector<16xf32>,
      %swap3A_252 = arith.index_cast %shift_right_arithmetic3A_171 : i32 to index
      %swap3A_253 = arith.index_cast %and3A_172 : i32 to index
      %swap3A_254 = arith.constant 128 : index
      %swap3A_255 = tpu.vector_load %arg6[%swap3A_252, %swap3A_253, %swap3A_254] {strides = array<i32>} : memref<31x8x256xf32, #tpu.memory_space<vmem>>, vector<16xf32>,
      tpu.vector_store %arg6[%swap3A_252, %swap3A_253, %swap3A_254], %gather3A_251 {strides = array<i32>} : memref<31x8x256xf32, #tpu.memory_space<vmem>>, vector<16xf32>,
      %add3A_256 = arith.constant 144 : i32
      %add3A_257 = arith.addi %sub3A, %add3A_256 : i32
      %add3A_258 = vector.broadcast %add3A_257 : i32 to vector<16xi32>
      %add3A_259 = arith.addi %add3A_258, %iota3A : vector<16xi32>
      %gather3A_260 = tpu.vector_load_idx %arg5[%add3A_259] : memref<4112xf32, #tpu.memory_space<vmem>>[vector<16xi32>], vector<16xf32>,
      %swap3A_261 = arith.index_cast %shift_right_arithmetic3A_171 : i32 to index
      %swap3A_262 = arith.index_cast %and3A_172 : i32 to index
      %swap3A_263 = arith.constant 144 : index
      %swap3A_264 = tpu.vector_load %arg6[%swap3A_261, %swap3A_262, %swap3A_263] {strides = array<i32>} : memref<31x8x256xf32, #tpu.memory_space<vmem>>, vector<16xf32>,
      tpu.vector_store %arg6[%swap3A_261, %swap3A_262, %swap3A_263], %gather3A_260 {strides = array<i32>} : memref<31x8x256xf32, #tpu.memory_space<vmem>>, vector<16xf32>,
      %add3A_265 = arith.constant 160 : i32
      %add3A_266 = arith.addi %sub3A, %add3A_265 : i32
      %add3A_267 = vector.broadcast %add3A_266 : i32 to vector<16xi32>
      %add3A_268 = arith.addi %add3A_267, %iota3A : vector<16xi32>
      %gather3A_269 = tpu.vector_load_idx %arg5[%add3A_268] : memref<4112xf32, #tpu.memory_space<vmem>>[vector<16xi32>], vector<16xf32>,
      %swap3A_270 = arith.index_cast %shift_right_arithmetic3A_171 : i32 to index
      %swap3A_271 = arith.index_cast %and3A_172 : i32 to index
      %swap3A_272 = arith.constant 160 : index
      %swap3A_273 = tpu.vector_load %arg6[%swap3A_270, %swap3A_271, %swap3A_272] {strides = array<i32>} : memref<31x8x256xf32, #tpu.memory_space<vmem>>, vector<16xf32>,
      tpu.vector_store %arg6[%swap3A_270, %swap3A_271, %swap3A_272], %gather3A_269 {strides = array<i32>} : memref<31x8x256xf32, #tpu.memory_space<vmem>>, vector<16xf32>,
      %add3A_274 = arith.constant 176 : i32
      %add3A_275 = arith.addi %sub3A, %add3A_274 : i32
      %add3A_276 = vector.broadcast %add3A_275 : i32 to vector<16xi32>
      %add3A_277 = arith.addi %add3A_276, %iota3A : vector<16xi32>
      %gather3A_278 = tpu.vector_load_idx %arg5[%add3A_277] : memref<4112xf32, #tpu.memory_space<vmem>>[vector<16xi32>], vector<16xf32>,
      %swap3A_279 = arith.index_cast %shift_right_arithmetic3A_171 : i32 to index
      %swap3A_280 = arith.index_cast %and3A_172 : i32 to index
      %swap3A_281 = arith.constant 176 : index
      %swap3A_282 = tpu.vector_load %arg6[%swap3A_279, %swap3A_280, %swap3A_281] {strides = array<i32>} : memref<31x8x256xf32, #tpu.memory_space<vmem>>, vector<16xf32>,
      tpu.vector_store %arg6[%swap3A_279, %swap3A_280, %swap3A_281], %gather3A_278 {strides = array<i32>} : memref<31x8x256xf32, #tpu.memory_space<vmem>>, vector<16xf32>,
      %add3A_283 = arith.constant 192 : i32
      %add3A_284 = arith.addi %sub3A, %add3A_283 : i32
      %add3A_285 = vector.broadcast %add3A_284 : i32 to vector<16xi32>
      %add3A_286 = arith.addi %add3A_285, %iota3A : vector<16xi32>
      %gather3A_287 = tpu.vector_load_idx %arg5[%add3A_286] : memref<4112xf32, #tpu.memory_space<vmem>>[vector<16xi32>], vector<16xf32>,
      %swap3A_288 = arith.index_cast %shift_right_arithmetic3A_171 : i32 to index
      %swap3A_289 = arith.index_cast %and3A_172 : i32 to index
      %swap3A_290 = arith.constant 192 : index
      %swap3A_291 = tpu.vector_load %arg6[%swap3A_288, %swap3A_289, %swap3A_290] {strides = array<i32>} : memref<31x8x256xf32, #tpu.memory_space<vmem>>, vector<16xf32>,
      tpu.vector_store %arg6[%swap3A_288, %swap3A_289, %swap3A_290], %gather3A_287 {strides = array<i32>} : memref<31x8x256xf32, #tpu.memory_space<vmem>>, vector<16xf32>,
      %add3A_292 = arith.constant 208 : i32
      %add3A_293 = arith.addi %sub3A, %add3A_292 : i32
      %add3A_294 = vector.broadcast %add3A_293 : i32 to vector<16xi32>
      %add3A_295 = arith.addi %add3A_294, %iota3A : vector<16xi32>
      %gather3A_296 = tpu.vector_load_idx %arg5[%add3A_295] : memref<4112xf32, #tpu.memory_space<vmem>>[vector<16xi32>], vector<16xf32>,
      %swap3A_297 = arith.index_cast %shift_right_arithmetic3A_171 : i32 to index
      %swap3A_298 = arith.index_cast %and3A_172 : i32 to index
      %swap3A_299 = arith.constant 208 : index
      %swap3A_300 = tpu.vector_load %arg6[%swap3A_297, %swap3A_298, %swap3A_299] {strides = array<i32>} : memref<31x8x256xf32, #tpu.memory_space<vmem>>, vector<16xf32>,
      tpu.vector_store %arg6[%swap3A_297, %swap3A_298, %swap3A_299], %gather3A_296 {strides = array<i32>} : memref<31x8x256xf32, #tpu.memory_space<vmem>>, vector<16xf32>,
      %add3A_301 = arith.constant 224 : i32
      %add3A_302 = arith.addi %sub3A, %add3A_301 : i32
      %add3A_303 = vector.broadcast %add3A_302 : i32 to vector<16xi32>
      %add3A_304 = arith.addi %add3A_303, %iota3A : vector<16xi32>
      %gather3A_305 = tpu.vector_load_idx %arg5[%add3A_304] : memref<4112xf32, #tpu.memory_space<vmem>>[vector<16xi32>], vector<16xf32>,
      %swap3A_306 = arith.index_cast %shift_right_arithmetic3A_171 : i32 to index
      %swap3A_307 = arith.index_cast %and3A_172 : i32 to index
      %swap3A_308 = arith.constant 224 : index
      %swap3A_309 = tpu.vector_load %arg6[%swap3A_306, %swap3A_307, %swap3A_308] {strides = array<i32>} : memref<31x8x256xf32, #tpu.memory_space<vmem>>, vector<16xf32>,
      tpu.vector_store %arg6[%swap3A_306, %swap3A_307, %swap3A_308], %gather3A_305 {strides = array<i32>} : memref<31x8x256xf32, #tpu.memory_space<vmem>>, vector<16xf32>,
      %add3A_310 = arith.constant 240 : i32
      %add3A_311 = arith.addi %sub3A, %add3A_310 : i32
      %add3A_312 = vector.broadcast %add3A_311 : i32 to vector<16xi32>
      %add3A_313 = arith.addi %add3A_312, %iota3A : vector<16xi32>
      %gather3A_314 = tpu.vector_load_idx %arg5[%add3A_313] : memref<4112xf32, #tpu.memory_space<vmem>>[vector<16xi32>], vector<16xf32>,
      %swap3A_315 = arith.index_cast %shift_right_arithmetic3A_171 : i32 to index
      %swap3A_316 = arith.index_cast %and3A_172 : i32 to index
      %swap3A_317 = arith.constant 240 : index
      %swap3A_318 = tpu.vector_load %arg6[%swap3A_315, %swap3A_316, %swap3A_317] {strides = array<i32>} : memref<31x8x256xf32, #tpu.memory_space<vmem>>, vector<16xf32>,
      tpu.vector_store %arg6[%swap3A_315, %swap3A_316, %swap3A_317], %gather3A_314 {strides = array<i32>} : memref<31x8x256xf32, #tpu.memory_space<vmem>>, vector<16xf32>,
    }
    %scan3A_13 = arith.constant 248 : i32
    %scan3A_14 = arith.constant 0 : i32
    %scan3A_15 = arith.constant 128 : i32
    %scan3A_16 = arith.addi %scan3A_14, %scan3A_15 : i32
    %scan3A_17 = arith.constant 1 : i32
    scf.for %scan3A_170 = %scan3A_14 to %scan3A_16 step %scan3A_17  : i32 {
      %mul3A_171 = arith.constant 16 : i32
      %mul3A_172 = arith.muli %scan3A_170, %mul3A_171 : i32
      %sub3A = arith.constant 2032 : i32
      %sub3A_173 = arith.subi %sub3A, %mul3A_172 : i32
      %shift_right_arithmetic3A = arith.constant 7 : i32
      %shift_right_arithmetic3A_174 = arith.shrsi %sub3A_173, %shift_right_arithmetic3A : i32
      %and3A = arith.constant 127 : i32
      %and3A_175 = arith.andi %sub3A_173, %and3A : i32
      %multiple_of3A = tpu.assume_multiple %and3A_175, 16 : i32
      %and3A_176 = arith.constant 127 : i32
      %and3A_177 = arith.andi %sub3A_173, %and3A_176 : i32
      %add3A_178 = arith.constant 8 : i32
      %add3A_179 = arith.addi %and3A_177, %add3A_178 : i32
      %multiple_of3A_180 = tpu.assume_multiple %add3A_179, 8 : i32
      %mul3A_181 = arith.constant 2 : i32
      %mul3A_182 = arith.muli %mul3A_181, %scan3A_170 : i32
      %dma_start3A = arith.constant 0 : i32
      %dma_start3A_183 = tpu.memref_slice %arg6[%shift_right_arithmetic3A_174, %dma_start3A, %multiple_of3A_180] : memref<31x8x256xf32, #tpu.memory_space<vmem>> -> memref<16x8x128xf32, #tpu.memory_space<vmem>>
      %dma_start3A_184 = arith.constant 0 : i32
      %dma_start3A_185 = arith.constant 0 : i32
      %dma_start3A_186 = arith.constant 0 : i32
      %dma_start3A_187 = tpu.memref_slice %arg3[%add3A, %mul3A_182, %dma_start3A_184, %dma_start3A_185, %dma_start3A_186] : memref<32x256x16x8x128xf32, #tpu.memory_space<hbm>> -> memref<1x1x16x8x128xf32, #tpu.memory_space<hbm>>
      %dma_start3A_188 = tpu.memref_squeeze %dma_start3A_187 : memref<1x1x16x8x128xf32, #tpu.memory_space<hbm>> -> memref<16x8x128xf32, #tpu.memory_space<hbm>>
      %dma_start3A_189 = arith.constant 0 : i32
      %dma_start3A_190 = arith.constant 0 : i32
      %dma_start3A_191 = arith.constant 0 : i32
      %dma_start3A_192 = tpu.memref_slice %arg3[%add3A, %mul3A_182, %dma_start3A_189, %dma_start3A_190, %dma_start3A_191] : memref<32x256x16x8x128xf32, #tpu.memory_space<hbm>> -> memref<1x1x16x8x128xf32, #tpu.memory_space<hbm>>
      %dma_start3A_193 = tpu.memref_squeeze %dma_start3A_192 : memref<1x1x16x8x128xf32, #tpu.memory_space<hbm>> -> memref<16x8x128xf32, #tpu.memory_space<hbm>>
      %dma_start3A_194 = arith.constant 0 : i32
      %dma_start3A_195 = tpu.memref_slice %arg6[%shift_right_arithmetic3A_174, %dma_start3A_194, %multiple_of3A_180] : memref<31x8x256xf32, #tpu.memory_space<vmem>> -> memref<16x8x128xf32, #tpu.memory_space<vmem>>
      tpu.enqueue_dma source(%dma_start3A_195 : memref<16x8x128xf32, #tpu.memory_space<vmem>>) target(%dma_start3A_193 : memref<16x8x128xf32, #tpu.memory_space<hbm>>) target_semaphore(%arg7 : memref<!tpu.dma_semaphore, #tpu.memory_space<semaphore_mem>>)
      %mul3A_196 = arith.constant 2 : i32
      %mul3A_197 = arith.muli %mul3A_196, %scan3A_170 : i32
      %add3A_198 = arith.constant 1 : i32
      %add3A_199 = arith.addi %mul3A_197, %add3A_198 : i32
      %dma_start3A_200 = arith.constant 0 : i32
      %dma_start3A_201 = tpu.memref_slice %arg6[%shift_right_arithmetic3A_174, %dma_start3A_200, %multiple_of3A] : memref<31x8x256xf32, #tpu.memory_space<vmem>> -> memref<16x8x128xf32, #tpu.memory_space<vmem>>
      %dma_start3A_202 = arith.constant 0 : i32
      %dma_start3A_203 = arith.constant 0 : i32
      %dma_start3A_204 = arith.constant 0 : i32
      %dma_start3A_205 = tpu.memref_slice %arg3[%add3A, %add3A_199, %dma_start3A_202, %dma_start3A_203, %dma_start3A_204] : memref<32x256x16x8x128xf32, #tpu.memory_space<hbm>> -> memref<1x1x16x8x128xf32, #tpu.memory_space<hbm>>
      %dma_start3A_206 = tpu.memref_squeeze %dma_start3A_205 : memref<1x1x16x8x128xf32, #tpu.memory_space<hbm>> -> memref<16x8x128xf32, #tpu.memory_space<hbm>>
      %dma_start3A_207 = arith.constant 0 : i32
      %dma_start3A_208 = arith.constant 0 : i32
      %dma_start3A_209 = arith.constant 0 : i32
      %dma_start3A_210 = tpu.memref_slice %arg3[%add3A, %add3A_199, %dma_start3A_207, %dma_start3A_208, %dma_start3A_209] : memref<32x256x16x8x128xf32, #tpu.memory_space<hbm>> -> memref<1x1x16x8x128xf32, #tpu.memory_space<hbm>>
      %dma_start3A_211 = tpu.memref_squeeze %dma_start3A_210 : memref<1x1x16x8x128xf32, #tpu.memory_space<hbm>> -> memref<16x8x128xf32, #tpu.memory_space<hbm>>
      %dma_start3A_212 = arith.constant 0 : i32
      %dma_start3A_213 = tpu.memref_slice %arg6[%shift_right_arithmetic3A_174, %dma_start3A_212, %multiple_of3A] : memref<31x8x256xf32, #tpu.memory_space<vmem>> -> memref<16x8x128xf32, #tpu.memory_space<vmem>>
      tpu.enqueue_dma source(%dma_start3A_213 : memref<16x8x128xf32, #tpu.memory_space<vmem>>) target(%dma_start3A_211 : memref<16x8x128xf32, #tpu.memory_space<hbm>>) target_semaphore(%arg7 : memref<!tpu.dma_semaphore, #tpu.memory_space<semaphore_mem>>)
      %ge3A = arith.constant 4 : i32
      %ge3A_214 = arith.cmpi sge, %scan3A_170, %ge3A : i32
      %convert_element_type3A = arith.extui %ge3A_214 : i1 to i32
      %cond3A = arith.constant 0 : i32
      %cond3A_215 = arith.cmpi ne, %convert_element_type3A, %cond3A : i32
      scf.if %cond3A_215 {
        %dma_wait3A_216 = arith.constant 0 : i32
        %dma_wait3A_217 = arith.constant 0 : i32
        %dma_wait3A_218 = arith.constant 0 : i32
        %dma_wait3A_219 = arith.constant 0 : i32
        %dma_wait3A_220 = tpu.memref_slice %arg6[%dma_wait3A_217, %dma_wait3A_218, %dma_wait3A_219] : memref<31x8x256xf32, #tpu.memory_space<vmem>> -> memref<16x8x128xf32, #tpu.memory_space<vmem>>
        %dma_wait3A_221 = arith.constant 0 : i32
        %dma_wait3A_222 = arith.constant 0 : i32
        %dma_wait3A_223 = arith.constant 0 : i32
        %dma_wait3A_224 = tpu.memref_slice %arg3[%add3A, %dma_wait3A_216, %dma_wait3A_221, %dma_wait3A_222, %dma_wait3A_223] : memref<32x256x16x8x128xf32, #tpu.memory_space<hbm>> -> memref<1x1x16x8x128xf32, #tpu.memory_space<hbm>>
        %dma_wait3A_225 = tpu.memref_squeeze %dma_wait3A_224 : memref<1x1x16x8x128xf32, #tpu.memory_space<hbm>> -> memref<16x8x128xf32, #tpu.memory_space<hbm>>
        %dma_wait3A_226 = arith.constant 0 : i32
        %dma_wait3A_227 = arith.constant 0 : i32
        %dma_wait3A_228 = arith.constant 0 : i32
        %dma_wait3A_229 = tpu.memref_slice %arg3[%add3A, %dma_wait3A_216, %dma_wait3A_226, %dma_wait3A_227, %dma_wait3A_228] : memref<32x256x16x8x128xf32, #tpu.memory_space<hbm>> -> memref<1x1x16x8x128xf32, #tpu.memory_space<hbm>>
        %dma_wait3A_230 = tpu.memref_squeeze %dma_wait3A_229 : memref<1x1x16x8x128xf32, #tpu.memory_space<hbm>> -> memref<16x8x128xf32, #tpu.memory_space<hbm>>
        %dma_wait3A_231 = arith.constant 0 : i32
        %dma_wait3A_232 = arith.constant 0 : i32
        %dma_wait3A_233 = arith.constant 0 : i32
        %dma_wait3A_234 = tpu.memref_slice %arg6[%dma_wait3A_231, %dma_wait3A_232, %dma_wait3A_233] : memref<31x8x256xf32, #tpu.memory_space<vmem>> -> memref<16x8x128xf32, #tpu.memory_space<vmem>>
        tpu.wait_dma2 semaphore(%arg7 : memref<!tpu.dma_semaphore, #tpu.memory_space<semaphore_mem>>) src(%dma_wait3A_234 : memref<16x8x128xf32, #tpu.memory_space<vmem>>) dst(%dma_wait3A_230 : memref<16x8x128xf32, #tpu.memory_space<hbm>>)
        %dma_wait3A_235 = arith.constant 0 : i32
        %dma_wait3A_236 = arith.constant 0 : i32
        %dma_wait3A_237 = arith.constant 0 : i32
        %dma_wait3A_238 = arith.constant 0 : i32
        %dma_wait3A_239 = tpu.memref_slice %arg6[%dma_wait3A_236, %dma_wait3A_237, %dma_wait3A_238] : memref<31x8x256xf32, #tpu.memory_space<vmem>> -> memref<16x8x128xf32, #tpu.memory_space<vmem>>
        %dma_wait3A_240 = arith.constant 0 : i32
        %dma_wait3A_241 = arith.constant 0 : i32
        %dma_wait3A_242 = arith.constant 0 : i32
        %dma_wait3A_243 = tpu.memref_slice %arg3[%add3A, %dma_wait3A_235, %dma_wait3A_240, %dma_wait3A_241, %dma_wait3A_242] : memref<32x256x16x8x128xf32, #tpu.memory_space<hbm>> -> memref<1x1x16x8x128xf32, #tpu.memory_space<hbm>>
        %dma_wait3A_244 = tpu.memref_squeeze %dma_wait3A_243 : memref<1x1x16x8x128xf32, #tpu.memory_space<hbm>> -> memref<16x8x128xf32, #tpu.memory_space<hbm>>
        %dma_wait3A_245 = arith.constant 0 : i32
        %dma_wait3A_246 = arith.constant 0 : i32
        %dma_wait3A_247 = arith.constant 0 : i32
        %dma_wait3A_248 = tpu.memref_slice %arg3[%add3A, %dma_wait3A_235, %dma_wait3A_245, %dma_wait3A_246, %dma_wait3A_247] : memref<32x256x16x8x128xf32, #tpu.memory_space<hbm>> -> memref<1x1x16x8x128xf32, #tpu.memory_space<hbm>>
        %dma_wait3A_249 = tpu.memref_squeeze %dma_wait3A_248 : memref<1x1x16x8x128xf32, #tpu.memory_space<hbm>> -> memref<16x8x128xf32, #tpu.memory_space<hbm>>
        %dma_wait3A_250 = arith.constant 0 : i32
        %dma_wait3A_251 = arith.constant 0 : i32
        %dma_wait3A_252 = arith.constant 0 : i32
        %dma_wait3A_253 = tpu.memref_slice %arg6[%dma_wait3A_250, %dma_wait3A_251, %dma_wait3A_252] : memref<31x8x256xf32, #tpu.memory_space<vmem>> -> memref<16x8x128xf32, #tpu.memory_space<vmem>>
        tpu.wait_dma2 semaphore(%arg7 : memref<!tpu.dma_semaphore, #tpu.memory_space<semaphore_mem>>) src(%dma_wait3A_253 : memref<16x8x128xf32, #tpu.memory_space<vmem>>) dst(%dma_wait3A_249 : memref<16x8x128xf32, #tpu.memory_space<hbm>>)
      } else {
      }
    }
    %scan3A_18 = arith.constant 128 : i32
    %dma_wait3A = arith.constant 0 : i32
    %dma_wait3A_19 = arith.constant 0 : i32
    %dma_wait3A_20 = arith.constant 0 : i32
    %dma_wait3A_21 = arith.constant 0 : i32
    %dma_wait3A_22 = tpu.memref_slice %arg6[%dma_wait3A_19, %dma_wait3A_20, %dma_wait3A_21] : memref<31x8x256xf32, #tpu.memory_space<vmem>> -> memref<16x8x128xf32, #tpu.memory_space<vmem>>
    %dma_wait3A_23 = arith.constant 0 : i32
    %dma_wait3A_24 = arith.constant 0 : i32
    %dma_wait3A_25 = arith.constant 0 : i32
    %dma_wait3A_26 = tpu.memref_slice %arg3[%add3A, %dma_wait3A, %dma_wait3A_23, %dma_wait3A_24, %dma_wait3A_25] : memref<32x256x16x8x128xf32, #tpu.memory_space<hbm>> -> memref<1x1x16x8x128xf32, #tpu.memory_space<hbm>>
    %dma_wait3A_27 = tpu.memref_squeeze %dma_wait3A_26 : memref<1x1x16x8x128xf32, #tpu.memory_space<hbm>> -> memref<16x8x128xf32, #tpu.memory_space<hbm>>
    %dma_wait3A_28 = arith.constant 0 : i32
    %dma_wait3A_29 = arith.constant 0 : i32
    %dma_wait3A_30 = arith.constant 0 : i32
    %dma_wait3A_31 = tpu.memref_slice %arg3[%add3A, %dma_wait3A, %dma_wait3A_28, %dma_wait3A_29, %dma_wait3A_30] : memref<32x256x16x8x128xf32, #tpu.memory_space<hbm>> -> memref<1x1x16x8x128xf32, #tpu.memory_space<hbm>>
    %dma_wait3A_32 = tpu.memref_squeeze %dma_wait3A_31 : memref<1x1x16x8x128xf32, #tpu.memory_space<hbm>> -> memref<16x8x128xf32, #tpu.memory_space<hbm>>
    %dma_wait3A_33 = arith.constant 0 : i32
    %dma_wait3A_34 = arith.constant 0 : i32
    %dma_wait3A_35 = arith.constant 0 : i32
    %dma_wait3A_36 = tpu.memref_slice %arg6[%dma_wait3A_33, %dma_wait3A_34, %dma_wait3A_35] : memref<31x8x256xf32, #tpu.memory_space<vmem>> -> memref<16x8x128xf32, #tpu.memory_space<vmem>>
    tpu.wait_dma2 semaphore(%arg7 : memref<!tpu.dma_semaphore, #tpu.memory_space<semaphore_mem>>) src(%dma_wait3A_36 : memref<16x8x128xf32, #tpu.memory_space<vmem>>) dst(%dma_wait3A_32 : memref<16x8x128xf32, #tpu.memory_space<hbm>>)
    %dma_wait3A_37 = arith.constant 0 : i32
    %dma_wait3A_38 = arith.constant 0 : i32
    %dma_wait3A_39 = arith.constant 0 : i32
    %dma_wait3A_40 = arith.constant 0 : i32
    %dma_wait3A_41 = tpu.memref_slice %arg6[%dma_wait3A_38, %dma_wait3A_39, %dma_wait3A_40] : memref<31x8x256xf32, #tpu.memory_space<vmem>> -> memref<16x8x128xf32, #tpu.memory_space<vmem>>
    %dma_wait3A_42 = arith.constant 0 : i32
    %dma_wait3A_43 = arith.constant 0 : i32
    %dma_wait3A_44 = arith.constant 0 : i32
    %dma_wait3A_45 = tpu.memref_slice %arg3[%add3A, %dma_wait3A_37, %dma_wait3A_42, %dma_wait3A_43, %dma_wait3A_44] : memref<32x256x16x8x128xf32, #tpu.memory_space<hbm>> -> memref<1x1x16x8x128xf32, #tpu.memory_space<hbm>>
    %dma_wait3A_46 = tpu.memref_squeeze %dma_wait3A_45 : memref<1x1x16x8x128xf32, #tpu.memory_space<hbm>> -> memref<16x8x128xf32, #tpu.memory_space<hbm>>
    %dma_wait3A_47 = arith.constant 0 : i32
    %dma_wait3A_48 = arith.constant 0 : i32
    %dma_wait3A_49 = arith.constant 0 : i32
    %dma_wait3A_50 = tpu.memref_slice %arg3[%add3A, %dma_wait3A_37, %dma_wait3A_47, %dma_wait3A_48, %dma_wait3A_49] : memref<32x256x16x8x128xf32, #tpu.memory_space<hbm>> -> memref<1x1x16x8x128xf32, #tpu.memory_space<hbm>>
    %dma_wait3A_51 = tpu.memref_squeeze %dma_wait3A_50 : memref<1x1x16x8x128xf32, #tpu.memory_space<hbm>> -> memref<16x8x128xf32, #tpu.memory_space<hbm>>
    %dma_wait3A_52 = arith.constant 0 : i32
    %dma_wait3A_53 = arith.constant 0 : i32
    %dma_wait3A_54 = arith.constant 0 : i32
    %dma_wait3A_55 = tpu.memref_slice %arg6[%dma_wait3A_52, %dma_wait3A_53, %dma_wait3A_54] : memref<31x8x256xf32, #tpu.memory_space<vmem>> -> memref<16x8x128xf32, #tpu.memory_space<vmem>>
    tpu.wait_dma2 semaphore(%arg7 : memref<!tpu.dma_semaphore, #tpu.memory_space<semaphore_mem>>) src(%dma_wait3A_55 : memref<16x8x128xf32, #tpu.memory_space<vmem>>) dst(%dma_wait3A_51 : memref<16x8x128xf32, #tpu.memory_space<hbm>>)
    %dma_wait3A_56 = arith.constant 0 : i32
    %dma_wait3A_57 = arith.constant 0 : i32
    %dma_wait3A_58 = arith.constant 0 : i32
    %dma_wait3A_59 = arith.constant 0 : i32
    %dma_wait3A_60 = tpu.memref_slice %arg6[%dma_wait3A_57, %dma_wait3A_58, %dma_wait3A_59] : memref<31x8x256xf32, #tpu.memory_space<vmem>> -> memref<16x8x128xf32, #tpu.memory_space<vmem>>
    %dma_wait3A_61 = arith.constant 0 : i32
    %dma_wait3A_62 = arith.constant 0 : i32
    %dma_wait3A_63 = arith.constant 0 : i32
    %dma_wait3A_64 = tpu.memref_slice %arg3[%add3A, %dma_wait3A_56, %dma_wait3A_61, %dma_wait3A_62, %dma_wait3A_63] : memref<32x256x16x8x128xf32, #tpu.memory_space<hbm>> -> memref<1x1x16x8x128xf32, #tpu.memory_space<hbm>>
    %dma_wait3A_65 = tpu.memref_squeeze %dma_wait3A_64 : memref<1x1x16x8x128xf32, #tpu.memory_space<hbm>> -> memref<16x8x128xf32, #tpu.memory_space<hbm>>
    %dma_wait3A_66 = arith.constant 0 : i32
    %dma_wait3A_67 = arith.constant 0 : i32
    %dma_wait3A_68 = arith.constant 0 : i32
    %dma_wait3A_69 = tpu.memref_slice %arg3[%add3A, %dma_wait3A_56, %dma_wait3A_66, %dma_wait3A_67, %dma_wait3A_68] : memref<32x256x16x8x128xf32, #tpu.memory_space<hbm>> -> memref<1x1x16x8x128xf32, #tpu.memory_space<hbm>>
    %dma_wait3A_70 = tpu.memref_squeeze %dma_wait3A_69 : memref<1x1x16x8x128xf32, #tpu.memory_space<hbm>> -> memref<16x8x128xf32, #tpu.memory_space<hbm>>
    %dma_wait3A_71 = arith.constant 0 : i32
    %dma_wait3A_72 = arith.constant 0 : i32
    %dma_wait3A_73 = arith.constant 0 : i32
    %dma_wait3A_74 = tpu.memref_slice %arg6[%dma_wait3A_71, %dma_wait3A_72, %dma_wait3A_73] : memref<31x8x256xf32, #tpu.memory_space<vmem>> -> memref<16x8x128xf32, #tpu.memory_space<vmem>>
    tpu.wait_dma2 semaphore(%arg7 : memref<!tpu.dma_semaphore, #tpu.memory_space<semaphore_mem>>) src(%dma_wait3A_74 : memref<16x8x128xf32, #tpu.memory_space<vmem>>) dst(%dma_wait3A_70 : memref<16x8x128xf32, #tpu.memory_space<hbm>>)
    %dma_wait3A_75 = arith.constant 0 : i32
    %dma_wait3A_76 = arith.constant 0 : i32
    %dma_wait3A_77 = arith.constant 0 : i32
    %dma_wait3A_78 = arith.constant 0 : i32
    %dma_wait3A_79 = tpu.memref_slice %arg6[%dma_wait3A_76, %dma_wait3A_77, %dma_wait3A_78] : memref<31x8x256xf32, #tpu.memory_space<vmem>> -> memref<16x8x128xf32, #tpu.memory_space<vmem>>
    %dma_wait3A_80 = arith.constant 0 : i32
    %dma_wait3A_81 = arith.constant 0 : i32
    %dma_wait3A_82 = arith.constant 0 : i32
    %dma_wait3A_83 = tpu.memref_slice %arg3[%add3A, %dma_wait3A_75, %dma_wait3A_80, %dma_wait3A_81, %dma_wait3A_82] : memref<32x256x16x8x128xf32, #tpu.memory_space<hbm>> -> memref<1x1x16x8x128xf32, #tpu.memory_space<hbm>>
    %dma_wait3A_84 = tpu.memref_squeeze %dma_wait3A_83 : memref<1x1x16x8x128xf32, #tpu.memory_space<hbm>> -> memref<16x8x128xf32, #tpu.memory_space<hbm>>
    %dma_wait3A_85 = arith.constant 0 : i32
    %dma_wait3A_86 = arith.constant 0 : i32
    %dma_wait3A_87 = arith.constant 0 : i32
    %dma_wait3A_88 = tpu.memref_slice %arg3[%add3A, %dma_wait3A_75, %dma_wait3A_85, %dma_wait3A_86, %dma_wait3A_87] : memref<32x256x16x8x128xf32, #tpu.memory_space<hbm>> -> memref<1x1x16x8x128xf32, #tpu.memory_space<hbm>>
    %dma_wait3A_89 = tpu.memref_squeeze %dma_wait3A_88 : memref<1x1x16x8x128xf32, #tpu.memory_space<hbm>> -> memref<16x8x128xf32, #tpu.memory_space<hbm>>
    %dma_wait3A_90 = arith.constant 0 : i32
    %dma_wait3A_91 = arith.constant 0 : i32
    %dma_wait3A_92 = arith.constant 0 : i32
    %dma_wait3A_93 = tpu.memref_slice %arg6[%dma_wait3A_90, %dma_wait3A_91, %dma_wait3A_92] : memref<31x8x256xf32, #tpu.memory_space<vmem>> -> memref<16x8x128xf32, #tpu.memory_space<vmem>>
    tpu.wait_dma2 semaphore(%arg7 : memref<!tpu.dma_semaphore, #tpu.memory_space<semaphore_mem>>) src(%dma_wait3A_93 : memref<16x8x128xf32, #tpu.memory_space<vmem>>) dst(%dma_wait3A_89 : memref<16x8x128xf32, #tpu.memory_space<hbm>>)
    %dma_wait3A_94 = arith.constant 0 : i32
    %dma_wait3A_95 = arith.constant 0 : i32
    %dma_wait3A_96 = arith.constant 0 : i32
    %dma_wait3A_97 = arith.constant 0 : i32
    %dma_wait3A_98 = tpu.memref_slice %arg6[%dma_wait3A_95, %dma_wait3A_96, %dma_wait3A_97] : memref<31x8x256xf32, #tpu.memory_space<vmem>> -> memref<16x8x128xf32, #tpu.memory_space<vmem>>
    %dma_wait3A_99 = arith.constant 0 : i32
    %dma_wait3A_100 = arith.constant 0 : i32
    %dma_wait3A_101 = arith.constant 0 : i32
    %dma_wait3A_102 = tpu.memref_slice %arg3[%add3A, %dma_wait3A_94, %dma_wait3A_99, %dma_wait3A_100, %dma_wait3A_101] : memref<32x256x16x8x128xf32, #tpu.memory_space<hbm>> -> memref<1x1x16x8x128xf32, #tpu.memory_space<hbm>>
    %dma_wait3A_103 = tpu.memref_squeeze %dma_wait3A_102 : memref<1x1x16x8x128xf32, #tpu.memory_space<hbm>> -> memref<16x8x128xf32, #tpu.memory_space<hbm>>
    %dma_wait3A_104 = arith.constant 0 : i32
    %dma_wait3A_105 = arith.constant 0 : i32
    %dma_wait3A_106 = arith.constant 0 : i32
    %dma_wait3A_107 = tpu.memref_slice %arg3[%add3A, %dma_wait3A_94, %dma_wait3A_104, %dma_wait3A_105, %dma_wait3A_106] : memref<32x256x16x8x128xf32, #tpu.memory_space<hbm>> -> memref<1x1x16x8x128xf32, #tpu.memory_space<hbm>>
    %dma_wait3A_108 = tpu.memref_squeeze %dma_wait3A_107 : memref<1x1x16x8x128xf32, #tpu.memory_space<hbm>> -> memref<16x8x128xf32, #tpu.memory_space<hbm>>
    %dma_wait3A_109 = arith.constant 0 : i32
    %dma_wait3A_110 = arith.constant 0 : i32
    %dma_wait3A_111 = arith.constant 0 : i32
    %dma_wait3A_112 = tpu.memref_slice %arg6[%dma_wait3A_109, %dma_wait3A_110, %dma_wait3A_111] : memref<31x8x256xf32, #tpu.memory_space<vmem>> -> memref<16x8x128xf32, #tpu.memory_space<vmem>>
    tpu.wait_dma2 semaphore(%arg7 : memref<!tpu.dma_semaphore, #tpu.memory_space<semaphore_mem>>) src(%dma_wait3A_112 : memref<16x8x128xf32, #tpu.memory_space<vmem>>) dst(%dma_wait3A_108 : memref<16x8x128xf32, #tpu.memory_space<hbm>>)
    %dma_wait3A_113 = arith.constant 0 : i32
    %dma_wait3A_114 = arith.constant 0 : i32
    %dma_wait3A_115 = arith.constant 0 : i32
    %dma_wait3A_116 = arith.constant 0 : i32
    %dma_wait3A_117 = tpu.memref_slice %arg6[%dma_wait3A_114, %dma_wait3A_115, %dma_wait3A_116] : memref<31x8x256xf32, #tpu.memory_space<vmem>> -> memref<16x8x128xf32, #tpu.memory_space<vmem>>
    %dma_wait3A_118 = arith.constant 0 : i32
    %dma_wait3A_119 = arith.constant 0 : i32
    %dma_wait3A_120 = arith.constant 0 : i32
    %dma_wait3A_121 = tpu.memref_slice %arg3[%add3A, %dma_wait3A_113, %dma_wait3A_118, %dma_wait3A_119, %dma_wait3A_120] : memref<32x256x16x8x128xf32, #tpu.memory_space<hbm>> -> memref<1x1x16x8x128xf32, #tpu.memory_space<hbm>>
    %dma_wait3A_122 = tpu.memref_squeeze %dma_wait3A_121 : memref<1x1x16x8x128xf32, #tpu.memory_space<hbm>> -> memref<16x8x128xf32, #tpu.memory_space<hbm>>
    %dma_wait3A_123 = arith.constant 0 : i32
    %dma_wait3A_124 = arith.constant 0 : i32
    %dma_wait3A_125 = arith.constant 0 : i32
    %dma_wait3A_126 = tpu.memref_slice %arg3[%add3A, %dma_wait3A_113, %dma_wait3A_123, %dma_wait3A_124, %dma_wait3A_125] : memref<32x256x16x8x128xf32, #tpu.memory_space<hbm>> -> memref<1x1x16x8x128xf32, #tpu.memory_space<hbm>>
    %dma_wait3A_127 = tpu.memref_squeeze %dma_wait3A_126 : memref<1x1x16x8x128xf32, #tpu.memory_space<hbm>> -> memref<16x8x128xf32, #tpu.memory_space<hbm>>
    %dma_wait3A_128 = arith.constant 0 : i32
    %dma_wait3A_129 = arith.constant 0 : i32
    %dma_wait3A_130 = arith.constant 0 : i32
    %dma_wait3A_131 = tpu.memref_slice %arg6[%dma_wait3A_128, %dma_wait3A_129, %dma_wait3A_130] : memref<31x8x256xf32, #tpu.memory_space<vmem>> -> memref<16x8x128xf32, #tpu.memory_space<vmem>>
    tpu.wait_dma2 semaphore(%arg7 : memref<!tpu.dma_semaphore, #tpu.memory_space<semaphore_mem>>) src(%dma_wait3A_131 : memref<16x8x128xf32, #tpu.memory_space<vmem>>) dst(%dma_wait3A_127 : memref<16x8x128xf32, #tpu.memory_space<hbm>>)
    %dma_wait3A_132 = arith.constant 0 : i32
    %dma_wait3A_133 = arith.constant 0 : i32
    %dma_wait3A_134 = arith.constant 0 : i32
    %dma_wait3A_135 = arith.constant 0 : i32
    %dma_wait3A_136 = tpu.memref_slice %arg6[%dma_wait3A_133, %dma_wait3A_134, %dma_wait3A_135] : memref<31x8x256xf32, #tpu.memory_space<vmem>> -> memref<16x8x128xf32, #tpu.memory_space<vmem>>
    %dma_wait3A_137 = arith.constant 0 : i32
    %dma_wait3A_138 = arith.constant 0 : i32
    %dma_wait3A_139 = arith.constant 0 : i32
    %dma_wait3A_140 = tpu.memref_slice %arg3[%add3A, %dma_wait3A_132, %dma_wait3A_137, %dma_wait3A_138, %dma_wait3A_139] : memref<32x256x16x8x128xf32, #tpu.memory_space<hbm>> -> memref<1x1x16x8x128xf32, #tpu.memory_space<hbm>>
    %dma_wait3A_141 = tpu.memref_squeeze %dma_wait3A_140 : memref<1x1x16x8x128xf32, #tpu.memory_space<hbm>> -> memref<16x8x128xf32, #tpu.memory_space<hbm>>
    %dma_wait3A_142 = arith.constant 0 : i32
    %dma_wait3A_143 = arith.constant 0 : i32
    %dma_wait3A_144 = arith.constant 0 : i32
    %dma_wait3A_145 = tpu.memref_slice %arg3[%add3A, %dma_wait3A_132, %dma_wait3A_142, %dma_wait3A_143, %dma_wait3A_144] : memref<32x256x16x8x128xf32, #tpu.memory_space<hbm>> -> memref<1x1x16x8x128xf32, #tpu.memory_space<hbm>>
    %dma_wait3A_146 = tpu.memref_squeeze %dma_wait3A_145 : memref<1x1x16x8x128xf32, #tpu.memory_space<hbm>> -> memref<16x8x128xf32, #tpu.memory_space<hbm>>
    %dma_wait3A_147 = arith.constant 0 : i32
    %dma_wait3A_148 = arith.constant 0 : i32
    %dma_wait3A_149 = arith.constant 0 : i32
    %dma_wait3A_150 = tpu.memref_slice %arg6[%dma_wait3A_147, %dma_wait3A_148, %dma_wait3A_149] : memref<31x8x256xf32, #tpu.memory_space<vmem>> -> memref<16x8x128xf32, #tpu.memory_space<vmem>>
    tpu.wait_dma2 semaphore(%arg7 : memref<!tpu.dma_semaphore, #tpu.memory_space<semaphore_mem>>) src(%dma_wait3A_150 : memref<16x8x128xf32, #tpu.memory_space<vmem>>) dst(%dma_wait3A_146 : memref<16x8x128xf32, #tpu.memory_space<hbm>>)
    %dma_wait3A_151 = arith.constant 0 : i32
    %dma_wait3A_152 = arith.constant 0 : i32
    %dma_wait3A_153 = arith.constant 0 : i32
    %dma_wait3A_154 = arith.constant 0 : i32
    %dma_wait3A_155 = tpu.memref_slice %arg6[%dma_wait3A_152, %dma_wait3A_153, %dma_wait3A_154] : memref<31x8x256xf32, #tpu.memory_space<vmem>> -> memref<16x8x128xf32, #tpu.memory_space<vmem>>
    %dma_wait3A_156 = arith.constant 0 : i32
    %dma_wait3A_157 = arith.constant 0 : i32
    %dma_wait3A_158 = arith.constant 0 : i32
    %dma_wait3A_159 = tpu.memref_slice %arg3[%add3A, %dma_wait3A_151, %dma_wait3A_156, %dma_wait3A_157, %dma_wait3A_158] : memref<32x256x16x8x128xf32, #tpu.memory_space<hbm>> -> memref<1x1x16x8x128xf32, #tpu.memory_space<hbm>>
    %dma_wait3A_160 = tpu.memref_squeeze %dma_wait3A_159 : memref<1x1x16x8x128xf32, #tpu.memory_space<hbm>> -> memref<16x8x128xf32, #tpu.memory_space<hbm>>
    %dma_wait3A_161 = arith.constant 0 : i32
    %dma_wait3A_162 = arith.constant 0 : i32
    %dma_wait3A_163 = arith.constant 0 : i32
    %dma_wait3A_164 = tpu.memref_slice %arg3[%add3A, %dma_wait3A_151, %dma_wait3A_161, %dma_wait3A_162, %dma_wait3A_163] : memref<32x256x16x8x128xf32, #tpu.memory_space<hbm>> -> memref<1x1x16x8x128xf32, #tpu.memory_space<hbm>>
    %dma_wait3A_165 = tpu.memref_squeeze %dma_wait3A_164 : memref<1x1x16x8x128xf32, #tpu.memory_space<hbm>> -> memref<16x8x128xf32, #tpu.memory_space<hbm>>
    %dma_wait3A_166 = arith.constant 0 : i32
    %dma_wait3A_167 = arith.constant 0 : i32
    %dma_wait3A_168 = arith.constant 0 : i32
    %dma_wait3A_169 = tpu.memref_slice %arg6[%dma_wait3A_166, %dma_wait3A_167, %dma_wait3A_168] : memref<31x8x256xf32, #tpu.memory_space<vmem>> -> memref<16x8x128xf32, #tpu.memory_space<vmem>>
    tpu.wait_dma2 semaphore(%arg7 : memref<!tpu.dma_semaphore, #tpu.memory_space<semaphore_mem>>) src(%dma_wait3A_169 : memref<16x8x128xf32, #tpu.memory_space<vmem>>) dst(%dma_wait3A_165 : memref<16x8x128xf32, #tpu.memory_space<hbm>>)
    return
  }
}

</mosaic_0001>

<sc_bundles>
// kernel: kernel.3.cloned.1.call-start
scs
__scs_entry_jumppad:
0x0: {  	(pc) =	sbr.rel $0x88, $3  }
0x1: {  	(tag) =	ssettag $0x0;
	lr =	simm.s32 $0x1  }
0x2: {  	[smem:$0x3FA0] =	sst lr;
	_ =	strace $0xD0000000  }
0x3: {  	_ = 	snop  }
0x4: {  	_ = 	snop  }
0x5: {  	_ = 	snop  }
0x6: {  	_ = 	snop  }
0x7: {  	_ = 	snop  }
__scs_overlays_trampoline_lowered:
0x8: {  	[smem:$0x3FAF] =	sst s0  }
0x9: {  	[smem:$0x3FB0] =	sst s1  }
0xa: {  	[smem:$0x3FB1] =	sst s2  }
0xb: {  	[smem:$0x3FB2] =	sst s3  }
0xc: {  	[smem:$0x3FB3] =	sst s4  }
0xd: {  	[smem:$0x3FB4] =	sst s5  }
0xe: {  	[smem:$0x3FB5] =	sst s6  }
0xf: {  	[smem:$0x3FB6] =	sst s7  }
0x10: {  	[smem:$0x3FB7] =	sst s8  }
0x11: {  	[smem:$0x3FB8] =	sst s9;
	s0 =	simm.s32 @!p0 $0x0  }
0x12: {  	s1 =	sld [smem:$0x3F9E];
	s0 =	simm.s32 @p0 $0x1  }
0x13: {  	[smem:$0x3FB9] =	sst s0;
	s0 =	simm.s32 @!p1 $0x0  }
0x14: {  	s2 =	sld [smem:$0x3F9D];
	s0 =	simm.s32 @p1 $0x1  }
0x15: {  	[smem:$0x3FBA] =	sst s0;
	s0 =	simm.s32 @!p2 $0x0  }
0x16: {  	s3 =	sld [smem:$0x3FDB];
	s0 =	simm.s32 @p2 $0x1  }
0x17: {  	s4 =	simm.s32 $0x1BF5;
	[smem:$0x3FBC] =	sst s0  }
0x18: {  	s0 =	sld [smem:$0x3F9F];
	_ =	swait.ge [sflag:s4], $0x0  }
0x19: {  	s7 =	sld [smem:$0x3FA0]  }
0x1a: {  	s8 =	sadd.s32 $0xFFFFE003, lr  }
0x1b: {  	s9 =	sadd.s32 $0xFFFFFEF7, lr;
	s5 =	simm.s32 $0xFFFFFFFF;
	p2 =	slt.u32 s8, $0xFFFFF086  }
0x1c: {  	p1 =	slt.u32 s9, $0xF7A;
	s5 =	simm.s32 @!p2 $0x0  }
0x1d: {  	s5 =	simm.s32 @p1 $0x1;
	p0 =	seq.s32 s7, s2  }
0x1e: {  	s7 =	smul.u32 @!p0 $0xF7A, s2;
	p2 =	seq.s32 @!p0 s5, $0x0  }
0x1f: {  	s9 =	smul.u32 $0xF7A, s1;
	s8 =	simm.s32 @!p0 $0x1BF5;
	p2 =	por !p2, p0  }
0x20: {  	[sflag:s8] =	ssyncset.s32 @!p0 $0xFFFFF086;
	s6 =	sadd.s32 @!p0 s3, s7;
	s7 =	simm.s32 @!p0 $0x108  }
0x21: {  	s3 =	sadd.s32 s3, s9;
	s6 =	sadd.s32 @!p0 $0x88, s6;
	s7 =	simm.s32 @p2 $0x1082  }
0x22: {  	[simem:s7], [sflag:s8] =	dma.local @!p0 [hbm:s6], $0xF7A  }
0x23: {  	s9 =	sor.u32 $0xD0000000, s2;
	s6 =	simm.s32 $0x108;
	_ =	swait.ge @!p0 [sflag:s8], $0x0  }
0x24: {  	s3 =	sadd.s32 $0x88, s3;
	s6 =	simm.s32 @!p1 $0x1082;
	[sflag:s4] =	ssyncset.s32 $0xFFFFF086  }
0x25: {  	[simem:s6], [sflag:s4] =	dma.local [hbm:s3], $0xF7A  }
0x26: {  	[smem:$0x3FA0] =	sst s1;
	(tag) =	ssettag s2;
	_ =	strace s9  }
0x27: {  	s1 =	sld [smem:$0x3FB0]  }
0x28: {  	s2 =	sld [smem:$0x3FB1]  }
0x29: {  	s4 =	sld [smem:$0x3FB3]  }
0x2a: {  	p0 =	seq.s32 s5, $0x0;
	s5 =	sld [smem:$0x3FB4]  }
0x2b: {  	s6 =	sld [smem:$0x3FB5]  }
0x2c: {  	s7 =	sld [smem:$0x3FB6]  }
0x2d: {  	s3 =	simm.s32 $0x108;
	s8 =	sld [smem:$0x3FB7]  }
0x2e: {  	s3 =	simm.s32 @!p0 $0x1082;
	s9 =	sld [smem:$0x3FB8]  }
0x2f: {  	lr =	sadd.s32 s0, s3;
	s0 =	sld [smem:$0x3FAF]  }
0x30: {  	s3 =	sld [smem:$0x3FB2]  }
0x31: {  	[smem:$0x3FBB] =	sst s10  }
0x32: {  	s10 =	sld [smem:$0x3FB9];
	_ =	sdelay $0x3  }
0x33: {  	p0 =	seq.s32 s10, $0x1;
	s10 =	sld [smem:$0x3FBB];
	_ =	sdelay $0x3  }
0x34: {  	[smem:$0x3FBB] =	sst s10  }
0x35: {  	s10 =	sld [smem:$0x3FBA];
	_ =	sdelay $0x3  }
0x36: {  	p1 =	seq.s32 s10, $0x1;
	s10 =	sld [smem:$0x3FBB];
	_ =	sdelay $0x3  }
0x37: {  	[smem:$0x3FBB] =	sst s10  }
0x38: {  	s10 =	sld [smem:$0x3FBC]  }
0x39: {  	_ = 	snop;
	(pc) =	sbr.ind lr, $3  }
0x3a: {  	_ = 	snop  }
0x3b: {  	_ = 	snop  }
0x3c: {  	p2 =	seq.s32 s10, $0x1;
	s10 =	sld [smem:$0x3FBB]  }
0x3d: {  	_ =	shalt  }
0x3e: {  	_ =	shalt  }
0x3f: {  	_ =	shalt  }
0x40: {  	_ =	shalt  }
0x41: {  	_ =	shalt  }
0x42: {  	_ =	shalt  }
0x43: {  	_ =	shalt  }
0x44: {  	_ =	shalt  }
0x45: {  	_ =	shalt  }
0x46: {  	_ =	shalt  }
0x47: {  	_ =	shalt  }
0x48: {  	_ =	shalt  }
0x49: {  	_ =	shalt  }
0x4a: {  	_ =	shalt  }
0x4b: {  	_ =	shalt  }
0x4c: {  	_ =	shalt  }
0x4d: {  	_ =	shalt  }
0x4e: {  	_ =	shalt  }
0x4f: {  	_ =	shalt  }
0x50: {  	_ =	shalt  }
0x51: {  	_ =	shalt  }
0x52: {  	_ =	shalt  }
0x53: {  	_ =	shalt  }
0x54: {  	_ =	shalt  }
0x55: {  	_ =	shalt  }
0x56: {  	_ =	shalt  }
0x57: {  	_ =	shalt  }
0x58: {  	_ =	shalt  }
0x59: {  	_ =	shalt  }
0x5a: {  	_ =	shalt  }
0x5b: {  	_ =	shalt  }
0x5c: {  	_ =	shalt  }
0x5d: {  	_ =	shalt  }
0x5e: {  	_ =	shalt  }
0x5f: {  	_ =	shalt  }
0x60: {  	_ =	shalt  }
0x61: {  	_ =	shalt  }
0x62: {  	_ =	shalt  }
0x63: {  	_ =	shalt  }
0x64: {  	_ =	shalt  }
0x65: {  	_ =	shalt  }
0x66: {  	_ =	shalt  }
0x67: {  	_ =	shalt  }
0x68: {  	_ =	shalt  }
0x69: {  	_ =	shalt  }
0x6a: {  	_ =	shalt  }
0x6b: {  	_ =	shalt  }
0x6c: {  	_ =	shalt  }
0x6d: {  	_ =	shalt  }
0x6e: {  	_ =	shalt  }
0x6f: {  	_ =	shalt  }
0x70: {  	_ =	shalt  }
0x71: {  	_ =	shalt  }
0x72: {  	_ =	shalt  }
0x73: {  	_ =	shalt  }
0x74: {  	_ =	shalt  }
0x75: {  	_ =	shalt  }
0x76: {  	_ =	shalt  }
0x77: {  	_ =	shalt  }
0x78: {  	_ =	shalt  }
0x79: {  	_ =	shalt  }
0x7a: {  	_ =	shalt  }
0x7b: {  	_ =	shalt  }
0x7c: {  	_ =	shalt  }
0x7d: {  	_ =	shalt  }
0x7e: {  	_ =	shalt  }
0x7f: {  	_ =	shalt  }
0x80: {  	_ =	shalt  }
0x81: {  	_ =	shalt  }
0x82: {  	_ =	shalt  }
0x83: {  	_ =	shalt  }
0x84: {  	_ =	shalt  }
0x85: {  	_ =	shalt  }
0x86: {  	_ =	shalt  }
0x87: {  	_ =	shalt  }
.Lfunc_end0:
.L_simem_size_0:
called_computation_lowered:
.L_overlay_start_0:
0x88: {  	s2 =	sld [smem:$0x3FD9]  }
0x89: {  	s3 =	sld [smem:$0x3FFE];
	_ =	sdelay $0x1  }
0x8a: {  	s1 =	srdreg.scid  }
0x8b: {  	s0 =	sand.u32 $0x1, s1  }
0x8c: {  	s17 =	sshll.u32 s0, $0xA;
	s2 =	sadd.s32 s3, s2  }
0x8d: {  	s2 =	sadd.s32 s2, s17  }
0x8e: {  	[smem:$0x3FC7] =	sst s2  }
0x8f: {  	_ = 	snop  }
0x90: {  	s2 =	sld [smem:$0x3FD0];
	(tm) =	ssettm $0x1  }
0x91: {  	s18 =	sld [smem:$0x3FFB];
	_ =	sdelay $0x3  }
0x92: {  	_ =	strace s18  }
0x93: {  	s3 =	sld [smem:$0x3FFC];
	_ =	sdelay $0x3  }
0x94: {  	_ =	strace s3  }
0x95: {  	s3 =	sld [smem:$0x3FFD];
	_ =	sdelay $0x3  }
0x96: {  	_ =	strace s3  }
0x97: {  	_ =	strace $0x8FFFFFFF  }
0x98: {  	s19 =	sld [smem:$0x3FDB];
	_ =	sdelay $0x1  }
0x99: {  	s4 =	simm.s32 $_scs_section_size  }
0x9a: {  	s5 =	simm.s32 $_size__tile_overlayer_lowered;
	s6 =	simm.s32 $_tile_overlayer_lowered  }
0x9b: {  	s22 =	simm.s32 $0x1BFF;
	s21 =	sshll.u32 s6, $0x1;
	s3 =	sadd.s32 s4, s19  }
0x9c: {  	s7 =	simm.s32 $0x0;
	s20 =	sshll.u32 s5, $0x1;
	s5 =	sadd.s32 s21, s3  }
0x9d: {  	[timem:s7], [sflag:s22] =	dma.local [hbm:s5], s20  }
0x9e: {  	_ =	swait.ge [sflag:s22], s20  }
0x9f: {  	s4 =	ssub.s32 $0x0, s20;
	[sflag:s22] =	ssyncset.done $0x0  }
0xa0: {  	[sflag:s22] =	ssyncadd.s32 s4;
	_ =	sdelay $0x1  }
0xa1: {  	s23 =	simm.s32 $0x1B8B  }
0xa2: {  	_ =	swait.ge [sflag:s23], $0x1  }
0xa3: {  	[sflag:s23] =	ssyncset.done $0x0  }
0xa4: {  	s25 =	simm.s32 $0x1B8E;
	s24 =	sld [smem:$0x3FFE];
	[sflag:s23] =	ssyncadd.s32 $0xFFFFFFFF  }
0xa5: {  	s26 =	simm.s32 $execute0_lowered;
	[smem:$0x3FD2] =	sst s25  }
0xa6: {  	s5 =	sshll.u32 s26, $0x1;
	_ =	strace $0x80000046;
	[dreg:$0x1] =	wrdreg $0xFFFFFFFF  }
0xa7: {  	s28 =	simm.s32 $_size_execute0_lowered;
	s3 =	sadd.s32 s3, s5;
	[dreg:$0x0] =	wrdreg $0x0  }
0xa8: {  	s5 =	sshll.u32 s28, $0x1;
	[dreg:$0x2] =	wrdreg s3  }
0xa9: {  	[dreg:$0x3] =	wrdreg s5  }
0xaa: {  	[dreg:$0x4] =	wrdreg $0xC0  }
0xab: {  	_ =	task [dreg:s7], $0x5FFFF  }
0xac: {  	[dreg:$0x1] =	wrdreg $0xFFFFFFFF  }
0xad: {  	[dreg:$0x0] =	wrdreg $0x60  }
0xae: {  	[dreg:$0x2] =	wrdreg s24  }
0xaf: {  	[dreg:$0x3] =	wrdreg s2  }
0xb0: {  	[dreg:$0x4] =	wrdreg $0x9  }
0xb1: {  	_ =	task.clear_ibuf [dreg:s7], $0x5FFFF;
	_ =	strace $0x90000046  }
0xb2: {  	s29 =	simm.s32 $0x9;
	_ =	strace $0x80000048  }
0xb3: {  	_ =	swait.ge [sflag:s29], $0x1  }
0xb4: {  	[sflag:s29] =	ssyncadd.s32 $0xFFFFFFFF  }
0xb5: {  	_ =	strace $0x90000048  }
0xb6: {  	_ =	sfence  }
0xb7: {  	s30 =	sld [smem:$0x0];
	_ =	sdelay $0x2  }
0xb8: {  	s31 =	sshll.u32 s1, $0xD;
	s1 =	sshrl.u32 s1, $0x2  }
0xb9: {  	s3 =	sand.u32 $0x4000, s31;
	s1 =	sadd.s32 s1, s30  }
0xba: {  	s0 =	sor.u32 s3, s0;
	s1 =	sshll.u32 s1, $0x11  }
0xbb: {  	s0 =	sor.u32 s1, s0  }
0xbc: {  	s0 =	sadd.s32 $0x8F2B, s0  }
0xbd: {  	[sflag:s0] =	ssyncadd.remote.s32 $0x1  }
0xbe: {  	_ =	sfence.sel $0xFFFF  }
0xbf: {  	[dreg:$0x0] =	wrdreg $0xFFFFFFFF;
	(pc) =	sbr.abs _section_cstart, $3  }
0xc0: {  	[dreg:$0x1] =	wrdreg $0xFFFFFFFF  }
0xc1: {  	_ =	task.clear_ibuf [dreg:s7], $0x2FFFF;
	_ =	strace $0x9FFFFFFF  }
0xc2: {  	(tm) =	ssettm $0x7FFFFFFF  }
0xc3: {  	_ =	shalt  }
tec
execute0_lowered:
.L_overlay_start_1:
0x0: {  	(tag) =	ssettag $0x1  }
0x1: {  	s4 =	rddreg [dreg:$0x0]  }
0x2: {  	s2 =	rddreg [dreg:$0x1]  }
0x3: {  	s0 =	rddreg [dreg:$0x2];
	s5 =	srdreg.scid  }
0x4: {  	s3 =	simm.s32 $0x0;
	s1 =	stileid.u32;
	s9 =	simm.s32 $0x400  }
0x5: {  	s10 =	simm.s32 $0x1;
	s11 =	simm.s32 $0x0;
	s5 =	sand.u32 $0x1, s5  }
0x6: {  	v0 =	vlaneseq.u32;
	[smem:$0x7FF] =	sst s3;
	s7 =	sshll.u32 s1, $0x1;
	s6 =	ssub.s32 $0x2, s5  }
0x7: {  	s4 =	sadd.s32 $0x400, s4;
	v2 =	vmul.u32 $0xFFFFFFFF, v0;
	s7 =	sor.u32 s5, s7;
	s8 =	sshrl.u32 s6, $0x1  }
0x8: {  	v3 =	vimm.s32 $0x10;
	_ =	strace $0x80000047;
	s5 =	sshll.u32 s7, $0x16;
	s8 =	ssub.s32 s6, s8  }
0x9: {  	v4 =	vimm.s32 $0x0;
	v1 =	vmov s7;
	v2 =	vadd.s32 $0x7FF, v2;
	s6 =	sor.u32 $0x4000, s5;
	s7 =	smax.u32 s8, $0x1;
	s8 =	simm.s32 $0x2  }
.LBB2_1:
0xa: {  	v5 =	vmov s3  }
0xb: {  	v5 =	vsub.s32 v2, v5  }
0xc: {  	vm0 =	vgt.s32 v5, $0x12;
	vm1 =	vgt.s32 v5, $0x14;
	vm8 =	vgt.s32 v5, $0x17  }
0xd: {  	vm9 =	vgt.s32 v5, $0x1A;
	vm10 =	vgt.s32 v5, $0x1E;
	vm11 =	vgt.s32 v5, $0x22  }
0xe: {  	vm12 =	vgt.s32 v5, $0x27;
	vm13 =	vgt.s32 v5, $0x2D;
	vm14 =	vgt.s32 v5, $0x33  }
0xf: {  	vm15 =	vgt.s32 v5, $0x3A;
	v6 =	vsel vm0, $0x11, v3;
	v7 =	vsel vm1, $0x1, v4  }
0x10: {  	vm4 =	vgt.s32 v5, $0x42;
	v6 =	vadd.s32 v7, v6;
	v7 =	vsel vm8, $0x1, v4  }
0x11: {  	vm5 =	vgt.s32 v5, $0x4C;
	v6 =	vadd.s32 v7, v6;
	v7 =	vsel vm9, $0x1, v4  }
0x12: {  	vm6 =	vgt.s32 v5, $0x56;
	v6 =	vadd.s32 v7, v6;
	v7 =	vsel vm10, $0x1, v4  }
0x13: {  	vm7 =	vgt.s32 v5, $0x62;
	v6 =	vadd.s32 v7, v6;
	v7 =	vsel vm11, $0x1, v4  }
0x14: {  	vm8 =	vgt.s32 v5, $0x70;
	v6 =	vadd.s32 v7, v6;
	v7 =	vsel vm12, $0x1, v4  }
0x15: {  	vm9 =	vgt.s32 v5, $0x0;
	v6 =	vadd.s32 v7, v6;
	v7 =	vsel vm13, $0x1, v4  }
0x16: {  	v8 =	vnsel vm9, $0x0, v5;
	v6 =	vadd.s32 v7, v6;
	v7 =	vsel vm14, $0x1, v4  }
0x17: {  	s12 =	simm.s32 $0x10;
	vm10 =	vlt.s32 v5, $0x10;
	v6 =	vadd.s32 v7, v6;
	v7 =	vsel vm15, $0x1, v4  }
0x18: {  	v5 =	vmov s12;
	v6 =	vadd.s32 v7, v6;
	v7 =	vsel vm4, $0x1, v4  }
0x19: {  	v5 =	vsub.s32 v2, v5;
	v6 =	vadd.s32 v7, v6;
	v7 =	vsel vm5, $0x1, v4  }
0x1a: {  	vm11 =	vgt.s32 v5, $0x12;
	v6 =	vadd.s32 v7, v6;
	v7 =	vsel vm6, $0x1, v4  }
0x1b: {  	vm12 =	vgt.s32 v5, $0x14;
	v6 =	vadd.s32 v7, v6;
	v7 =	vsel vm7, $0x1, v4  }
0x1c: {  	vm13 =	vgt.s32 v5, $0x17;
	v6 =	vadd.s32 v7, v6;
	v7 =	vsel vm8, $0x1, v4  }
0x1d: {  	vm14 =	vgt.s32 v5, $0x1A;
	vm15 =	vgt.s32 v5, $0x1E;
	v6 =	vadd.s32 v7, v6  }
0x1e: {  	v7 =	vsel vm11, $0x11, v3;
	v6 =	vsel vm10, v8, v6;
	v8 =	vsel vm12, $0x1, v4  }
0x1f: {  	vm4 =	vgt.s32 v5, $0x22;
	v7 =	vadd.s32 v8, v7;
	v8 =	vsel vm13, $0x1, v4  }
0x20: {  	vm5 =	vgt.s32 v5, $0x27;
	v7 =	vadd.s32 v8, v7;
	v8 =	vsel vm14, $0x1, v4  }
0x21: {  	vm6 =	vgt.s32 v5, $0x2D;
	v7 =	vadd.s32 v8, v7;
	v8 =	vsel vm15, $0x1, v4  }
0x22: {  	v6 =	vshll.u32 v6, $0x5;
	v7 =	vadd.s32 v8, v7;
	v8 =	vsel vm4, $0x1, v4  }
0x23: {  	v6 =	vor.u32 v1, v6;
	v7 =	vadd.s32 v8, v7;
	v8 =	vsel vm5, $0x1, v4  }
0x24: {  	[tilespmem:s3], [sflag:$0x2] =	stream.linear.gather [hbm4b:s4+s3], $0x400, $0x38;
	vm7 =	vgt.s32 v5, $0x33;
	v7 =	vadd.s32 v8, v7;
	v8 =	vsel vm6, $0x1, v4;
	[tilespmem:$0x10C10] =	vst v63  }
0x25: {  	_ =	swait.ge [sflag:s8], $0x400;
	vm8 =	vgt.s32 v5, $0x3A;
	v7 =	vadd.s32 v8, v7;
	v8 =	vsel vm7, $0x1, v4  }
0x26: {  	[sflag:s8] =	ssyncset.done $0x0;
	vm9 =	vgt.s32 v5, $0x42;
	v7 =	vadd.s32 v8, v7;
	v8 =	vsel vm8, $0x1, v4  }
0x27: {  	[sflag:s8] =	ssyncadd.s32 $0xFFFFFC00;
	vm10 =	vgt.s32 v5, $0x4C;
	v7 =	vadd.s32 v8, v7;
	v8 =	vsel vm9, $0x1, v4  }
0x28: {  	vm11 =	vgt.s32 v5, $0x56;
	v6 =	vld.idx.msk [tilespmem:v6+s3+$0x0], $0xffff;
	v7 =	vadd.s32 v8, v7;
	v8 =	vsel vm10, $0x1, v4  }
0x29: {  	vm12 =	vgt.s32 v5, $0x62;
	v7 =	vadd.s32 v8, v7;
	v8 =	vsel vm11, $0x1, v4  }
0x2a: {  	vm13 =	vgt.s32 v5, $0x70;
	v7 =	vadd.s32 v8, v7;
	v8 =	vsel vm12, $0x1, v4  }
0x2b: {  	vm14 =	vgt.s32 v5, $0x0;
	v7 =	vadd.s32 v8, v7;
	v8 =	vsel vm13, $0x1, v4  }
0x2c: {  	s31 =	simm.s32 $0x20;
	vm15 =	vlt.s32 v5, $0x10;
	v7 =	vadd.s32 v8, v7;
	v8 =	vnsel vm14, $0x0, v5  }
0x2d: {  	s14 =	simm.s32 $0x30;
	s13 =	simm.s32 $0x400;
	[tilespmem:s9+$0x0] =	vst v6;
	v5 =	vmov s31;
	v6 =	vsel vm15, v8, v7  }
.LBB2_2:
0x2e: {  	p0 =	sne.s32 s14, $0x1000;
	v5 =	vsub.s32 v2, v5;
	v6 =	vshll.u32 v6, $0x5  }
0x2f: {  	vm0 =	vgt.s32 v5, $0x12;
	vm1 =	vgt.s32 v5, $0x14;
	v6 =	vor.u32 v1, v6  }
0x30: {  	v7 =	vsel vm0, $0x11, v3;
	v8 =	vsel vm1, $0x1, v4;
	vm0 =	vgt.s32 v5, $0x17  }
0x31: {  	v7 =	vadd.s32 v8, v7;
	v8 =	vsel vm0, $0x1, v4;
	vm0 =	vgt.s32 v5, $0x1A  }
0x32: {  	v7 =	vadd.s32 v8, v7;
	v8 =	vsel vm0, $0x1, v4;
	vm0 =	vgt.s32 v5, $0x1E  }
0x33: {  	s12 =	simm.s32 $0x0;
	v7 =	vadd.s32 v8, v7;
	v8 =	vsel vm0, $0x1, v4;
	vm0 =	vgt.s32 v5, $0x22  }
0x34: {  	v7 =	vadd.s32 v8, v7;
	v8 =	vsel vm0, $0x1, v4;
	vm0 =	vgt.s32 v5, $0x27;
	v6 =	vld.idx.msk [tilespmem:v6+s12+$0x0], $0xffff  }
0x35: {  	v7 =	vadd.s32 v8, v7;
	v8 =	vsel vm0, $0x1, v4;
	vm0 =	vgt.s32 v5, $0x2D  }
0x36: {  	v7 =	vadd.s32 v8, v7;
	v8 =	vsel vm0, $0x1, v4;
	vm0 =	vgt.s32 v5, $0x33  }
0x37: {  	v7 =	vadd.s32 v8, v7;
	v8 =	vsel vm0, $0x1, v4;
	vm0 =	vgt.s32 v5, $0x3A  }
0x38: {  	v7 =	vadd.s32 v8, v7;
	v8 =	vsel vm0, $0x1, v4;
	vm0 =	vgt.s32 v5, $0x42  }
0x39: {  	s13 =	sadd.s32 $0x10, s13;
	v7 =	vadd.s32 v8, v7;
	v8 =	vsel vm0, $0x1, v4;
	vm0 =	vgt.s32 v5, $0x4C  }
0x3a: {  	v7 =	vadd.s32 v8, v7;
	v8 =	vsel vm0, $0x1, v4;
	vm0 =	vgt.s32 v5, $0x56;
	[tilespmem:s13+$0x0] =	vst v6  }
.Ltmp0:
0x3b: {  	v6 =	vadd.s32 v8, v7;
	v7 =	vsel vm0, $0x1, v4;
	vm0 =	vgt.s32 v5, $0x62;
	(pc) =	sbr.rel @p0 .LBB2_2-.Ltmp0, $4  }
0x3c: {  	v6 =	vadd.s32 v7, v6;
	v7 =	vsel vm0, $0x1, v4;
	vm0 =	vgt.s32 v5, $0x70  }
0x3d: {  	vm1 =	vgt.s32 v5, $0x0;
	v6 =	vadd.s32 v7, v6;
	v7 =	vsel vm0, $0x1, v4  }
0x3e: {  	v8 =	vnsel vm1, $0x0, v5;
	vm0 =	vlt.s32 v5, $0x10;
	v6 =	vadd.s32 v7, v6  }
0x3f: {  	v5 =	vmov s14;
	s14 =	sadd.s32 $0x10, s14;
	v6 =	vsel vm0, v8, v6  }
0x40: {  	v5 =	vsub.s32 v2, v5;
	v6 =	vshll.u32 v6, $0x5  }
0x41: {  	vm0 =	vgt.s32 v5, $0x12;
	vm1 =	vgt.s32 v5, $0x14;
	v6 =	vor.u32 v1, v6  }
0x42: {  	vm13 =	vgt.s32 v5, $0x17;
	v7 =	vsel vm0, $0x11, v3;
	v8 =	vsel vm1, $0x1, v4  }
0x43: {  	vm14 =	vgt.s32 v5, $0x1A;
	v50 =	vsel vm13, $0x1, v4;
	v7 =	vadd.s32 v8, v7  }
0x44: {  	vm15 =	vgt.s32 v5, $0x1E;
	v51 =	vsel vm14, $0x1, v4;
	v7 =	vadd.s32 v50, v7  }
0x45: {  	vm4 =	vgt.s32 v5, $0x22;
	v52 =	vsel vm15, $0x1, v4;
	v7 =	vadd.s32 v51, v7  }
0x46: {  	vm5 =	vgt.s32 v5, $0x27;
	v53 =	vsel vm4, $0x1, v4;
	v7 =	vadd.s32 v52, v7  }
0x47: {  	vm6 =	vgt.s32 v5, $0x2D;
	v54 =	vsel vm5, $0x1, v4;
	v7 =	vadd.s32 v53, v7  }
0x48: {  	vm7 =	vgt.s32 v5, $0x33;
	v55 =	vsel vm6, $0x1, v4;
	v7 =	vadd.s32 v54, v7  }
0x49: {  	vm8 =	vgt.s32 v5, $0x3A;
	v56 =	vsel vm7, $0x1, v4;
	v7 =	vadd.s32 v55, v7  }
0x4a: {  	vm9 =	vgt.s32 v5, $0x42;
	v57 =	vsel vm8, $0x1, v4;
	v7 =	vadd.s32 v56, v7  }
0x4b: {  	vm10 =	vgt.s32 v5, $0x4C;
	v58 =	vsel vm9, $0x1, v4;
	v7 =	vadd.s32 v57, v7  }
0x4c: {  	vm11 =	vgt.s32 v5, $0x56;
	v59 =	vsel vm10, $0x1, v4;
	v7 =	vadd.s32 v58, v7  }
0x4d: {  	vm12 =	vgt.s32 v5, $0x62;
	v60 =	vsel vm11, $0x1, v4;
	v7 =	vadd.s32 v59, v7  }
0x4e: {  	v61 =	vsel vm12, $0x1, v4;
	vm13 =	vgt.s32 v5, $0x70;
	v7 =	vadd.s32 v60, v7  }
0x4f: {  	vm14 =	vgt.s32 v5, $0x0;
	v62 =	vsel vm13, $0x1, v4;
	v7 =	vadd.s32 v61, v7  }
0x50: {  	vm15 =	vlt.s32 v5, $0x10;
	v63 =	vnsel vm14, $0x0, v5;
	v7 =	vadd.s32 v62, v7  }
0x51: {  	v5 =	vsel vm15, v63, v7  }
0x52: {  	v6 =	vld.idx.msk [tilespmem:v6+s12+$0x0], $0xffff;
	v5 =	vshll.u32 v5, $0x5  }
0x53: {  	v5 =	vor.u32 v1, v5;
	_ =	sdelay $0x2  }
0x54: {  	s13 =	sadd.s32 $0x10, s13  }
0x55: {  	[tilespmem:s13+$0x0] =	vst v6  }
0x56: {  	p1 =	por $0x1, $0x1;
	v5 =	vld.idx.msk [tilespmem:v5+s12+$0x0], $0xffff  }
.Ltmp1:
0x57: {  	_ = 	snop;
	(pc) =	sbr.rel @!p1 .LBB2_4-.Ltmp1, $3  }
0x58: {  	_ =	sdelay $0x1  }
0x59: {  	s13 =	sadd.s32 $0x10, s13  }
0x5a: {  	s16 =	simm.s32 $0x0;
	p0 =	por $0x0, $0x0;
	[tilespmem:s13+$0x0] =	vst v5;
	s13 =	simm.s32 $0x1  }
0x5b: {  	s14 =	sand.u32 $0x7, s12;
	s15 =	sand.u32 $0xFFFFFF80, s16  }
0x5c: {  	s15 =	sor.u32 s15, s14  }
0x5d: {  	s15 =	sxor.u32 $0x7, s15  }
0x5e: {  	v5 =	vadd.s32 s15, v0;
	_ =	sdelay $0x4  }
0x5f: {  	s31 =	sor.u32 $0x10, s15;
	v5 =	vld.idx.msk [tilespmem:v5+s9+$0x0], $0xffff  }
0x60: {  	v6 =	vadd.s32 s31, v0  }
0x61: {  	s17 =	simm.s32 $0x0  }
0x62: {  	s16 =	sand.u32 $0x3FFFF800, s17;
	s14 =	sshll.u32 s14, $0x8  }
0x63: {  	s14 =	sor.u32 s14, s16  }
0x64: {  	[tilespmem:s14+$0x1410] =	vst v5  }
0x65: {  	s18 =	sor.u32 $0x20, s15;
	v5 =	vld.idx.msk [tilespmem:v6+s9+$0x0], $0xffff  }
0x66: {  	v6 =	vadd.s32 s18, v0;
	_ =	sdelay $0x3  }
0x67: {  	[tilespmem:s14+$0x1420] =	vst v5  }
0x68: {  	s19 =	sor.u32 $0x30, s15;
	v5 =	vld.idx.msk [tilespmem:v6+s9+$0x0], $0xffff  }
0x69: {  	v6 =	vadd.s32 s19, v0;
	_ =	sdelay $0x3  }
0x6a: {  	[tilespmem:s14+$0x1430] =	vst v5  }
0x6b: {  	s20 =	sor.u32 $0x40, s15;
	v5 =	vld.idx.msk [tilespmem:v6+s9+$0x0], $0xffff  }
0x6c: {  	v6 =	vadd.s32 s20, v0;
	_ =	sdelay $0x3  }
0x6d: {  	[tilespmem:s14+$0x1440] =	vst v5  }
0x6e: {  	s21 =	sor.u32 $0x50, s15;
	v5 =	vld.idx.msk [tilespmem:v6+s9+$0x0], $0xffff  }
0x6f: {  	v6 =	vadd.s32 s21, v0;
	_ =	sdelay $0x3  }
0x70: {  	[tilespmem:s14+$0x1450] =	vst v5  }
0x71: {  	s22 =	sor.u32 $0x60, s15;
	v5 =	vld.idx.msk [tilespmem:v6+s9+$0x0], $0xffff  }
0x72: {  	v6 =	vadd.s32 s22, v0;
	_ =	sdelay $0x3  }
0x73: {  	[tilespmem:s14+$0x1460] =	vst v5  }
0x74: {  	s23 =	sor.u32 $0x70, s15;
	v5 =	vld.idx.msk [tilespmem:v6+s9+$0x0], $0xffff  }
0x75: {  	v6 =	vadd.s32 s23, v0;
	_ =	sdelay $0x3  }
0x76: {  	[tilespmem:s14+$0x1470] =	vst v5  }
0x77: {  	s24 =	sadd.s32 $0x80, s15;
	v5 =	vld.idx.msk [tilespmem:v6+s9+$0x0], $0xffff  }
0x78: {  	v6 =	vadd.s32 s24, v0;
	_ =	sdelay $0x3  }
0x79: {  	[tilespmem:s14+$0x1480] =	vst v5  }
0x7a: {  	s25 =	sadd.s32 $0x90, s15;
	v5 =	vld.idx.msk [tilespmem:v6+s9+$0x0], $0xffff  }
0x7b: {  	v6 =	vadd.s32 s25, v0;
	_ =	sdelay $0x3  }
0x7c: {  	[tilespmem:s14+$0x1490] =	vst v5  }
0x7d: {  	s26 =	sadd.s32 $0xA0, s15;
	v5 =	vld.idx.msk [tilespmem:v6+s9+$0x0], $0xffff  }
0x7e: {  	v6 =	vadd.s32 s26, v0;
	_ =	sdelay $0x3  }
0x7f: {  	[tilespmem:s14+$0x14A0] =	vst v5  }
0x80: {  	s28 =	sadd.s32 $0xB0, s15;
	v5 =	vld.idx.msk [tilespmem:v6+s9+$0x0], $0xffff  }
0x81: {  	v6 =	vadd.s32 s28, v0;
	_ =	sdelay $0x3  }
0x82: {  	[tilespmem:s14+$0x14B0] =	vst v5  }
0x83: {  	s29 =	sadd.s32 $0xC0, s15;
	v5 =	vld.idx.msk [tilespmem:v6+s9+$0x0], $0xffff  }
0x84: {  	v6 =	vadd.s32 s29, v0;
	_ =	sdelay $0x3  }
0x85: {  	[tilespmem:s14+$0x14C0] =	vst v5  }
0x86: {  	s30 =	sadd.s32 $0xD0, s15;
	v5 =	vld.idx.msk [tilespmem:v6+s9+$0x0], $0xffff  }
0x87: {  	v6 =	vadd.s32 s30, v0;
	_ =	sdelay $0x3  }
0x88: {  	[tilespmem:s14+$0x14D0] =	vst v5  }
0x89: {  	s31 =	sadd.s32 $0xE0, s15;
	v5 =	vld.idx.msk [tilespmem:v6+s9+$0x0], $0xffff  }
0x8a: {  	v6 =	vadd.s32 s31, v0;
	_ =	sdelay $0x3  }
0x8b: {  	p1 =	por $0x1, $0x1;
	[tilespmem:s14+$0x14E0] =	vst v5  }
.Ltmp2:
0x8c: {  	s15 =	sadd.s32 $0xF0, s15;
	v5 =	vld.idx.msk [tilespmem:v6+s9+$0x0], $0xffff;
	(pc) =	sbr.rel @!p1 .LBB2_7-.Ltmp2, $2  }
0x8d: {  	v6 =	vadd.s32 s15, v0;
	_ =	sdelay $0x2  }
0x8e: {  	p0 =	por $0x1, $0x1;
	s16 =	simm.s32 $0x10;
	s15 =	simm.s32 $0x2  }
.LBB2_6:
0x8f: {  	p1 =	sne.s32 s15, $0xF7;
	s17 =	sand.u32 $0x7, s13;
	s16 =	sand.u32 $0xFFFFFF80, s16;
	[tilespmem:s14+$0x14F0] =	vst v5  }
0x90: {  	s16 =	sor.u32 s16, s17;
	v5 =	vld.idx.msk [tilespmem:v6+s9+$0x0], $0xffff  }
0x91: {  	s16 =	sxor.u32 $0x7, s16  }
0x92: {  	v6 =	vadd.s32 s16, v0;
	_ =	sdelay $0x3  }
0x93: {  	[tilespmem:s14+$0x1500] =	vst v5  }
0x94: {  	v5 =	vld.idx.msk [tilespmem:v6+s9+$0x0], $0xffff  }
0x95: {  	s14 =	sor.u32 $0x10, s16  }
0x96: {  	v6 =	vadd.s32 s14, v0  }
0x97: {  	s14 =	sshll.u32 s13, $0x8;
	s13 =	smov.u32 s15  }
0x98: {  	s17 =	sshll.u32 s17, $0x8;
	s14 =	sand.u32 $0x3FFFF800, s14  }
0x99: {  	s14 =	sor.u32 s17, s14  }
0x9a: {  	[tilespmem:s14+$0x1410] =	vst v5  }
0x9b: {  	v5 =	vld.idx.msk [tilespmem:v6+s9+$0x0], $0xffff  }
0x9c: {  	s17 =	sor.u32 $0x20, s16  }
0x9d: {  	v6 =	vadd.s32 s17, v0;
	_ =	sdelay $0x3  }
0x9e: {  	[tilespmem:s14+$0x1420] =	vst v5  }
0x9f: {  	v5 =	vld.idx.msk [tilespmem:v6+s9+$0x0], $0xffff  }
0xa0: {  	s17 =	sor.u32 $0x30, s16  }
0xa1: {  	v6 =	vadd.s32 s17, v0;
	_ =	sdelay $0x3  }
0xa2: {  	[tilespmem:s14+$0x1430] =	vst v5  }
0xa3: {  	v5 =	vld.idx.msk [tilespmem:v6+s9+$0x0], $0xffff  }
0xa4: {  	s17 =	sor.u32 $0x40, s16  }
0xa5: {  	v6 =	vadd.s32 s17, v0;
	_ =	sdelay $0x3  }
0xa6: {  	[tilespmem:s14+$0x1440] =	vst v5  }
0xa7: {  	v5 =	vld.idx.msk [tilespmem:v6+s9+$0x0], $0xffff  }
0xa8: {  	s17 =	sor.u32 $0x50, s16  }
0xa9: {  	v6 =	vadd.s32 s17, v0;
	_ =	sdelay $0x3  }
0xaa: {  	[tilespmem:s14+$0x1450] =	vst v5  }
0xab: {  	v5 =	vld.idx.msk [tilespmem:v6+s9+$0x0], $0xffff  }
0xac: {  	s17 =	sor.u32 $0x60, s16  }
0xad: {  	v6 =	vadd.s32 s17, v0;
	_ =	sdelay $0x3  }
0xae: {  	[tilespmem:s14+$0x1460] =	vst v5  }
0xaf: {  	v5 =	vld.idx.msk [tilespmem:v6+s9+$0x0], $0xffff  }
0xb0: {  	s17 =	sor.u32 $0x70, s16  }
0xb1: {  	v6 =	vadd.s32 s17, v0;
	_ =	sdelay $0x3  }
0xb2: {  	[tilespmem:s14+$0x1470] =	vst v5  }
0xb3: {  	v5 =	vld.idx.msk [tilespmem:v6+s9+$0x0], $0xffff  }
0xb4: {  	s17 =	sadd.s32 $0x80, s16  }
0xb5: {  	v6 =	vadd.s32 s17, v0;
	_ =	sdelay $0x3  }
0xb6: {  	[tilespmem:s14+$0x1480] =	vst v5  }
0xb7: {  	v5 =	vld.idx.msk [tilespmem:v6+s9+$0x0], $0xffff  }
0xb8: {  	s17 =	sadd.s32 $0x90, s16  }
0xb9: {  	v6 =	vadd.s32 s17, v0;
	_ =	sdelay $0x3  }
0xba: {  	[tilespmem:s14+$0x1490] =	vst v5  }
0xbb: {  	v5 =	vld.idx.msk [tilespmem:v6+s9+$0x0], $0xffff  }
0xbc: {  	s17 =	sadd.s32 $0xA0, s16  }
0xbd: {  	v6 =	vadd.s32 s17, v0;
	_ =	sdelay $0x3  }
0xbe: {  	[tilespmem:s14+$0x14A0] =	vst v5  }
0xbf: {  	v5 =	vld.idx.msk [tilespmem:v6+s9+$0x0], $0xffff  }
0xc0: {  	s17 =	sadd.s32 $0xB0, s16  }
0xc1: {  	v6 =	vadd.s32 s17, v0;
	_ =	sdelay $0x3  }
0xc2: {  	[tilespmem:s14+$0x14B0] =	vst v5  }
0xc3: {  	v5 =	vld.idx.msk [tilespmem:v6+s9+$0x0], $0xffff  }
0xc4: {  	s17 =	sadd.s32 $0xC0, s16  }
0xc5: {  	v6 =	vadd.s32 s17, v0;
	_ =	sdelay $0x3  }
0xc6: {  	[tilespmem:s14+$0x14C0] =	vst v5  }
0xc7: {  	v5 =	vld.idx.msk [tilespmem:v6+s9+$0x0], $0xffff  }
0xc8: {  	s17 =	sadd.s32 $0xD0, s16  }
0xc9: {  	v6 =	vadd.s32 s17, v0;
	_ =	sdelay $0x3  }
0xca: {  	[tilespmem:s14+$0x14D0] =	vst v5  }
0xcb: {  	v5 =	vld.idx.msk [tilespmem:v6+s9+$0x0], $0xffff  }
0xcc: {  	s17 =	sadd.s32 $0xE0, s16  }
0xcd: {  	v6 =	vadd.s32 s17, v0;
	_ =	sdelay $0x3  }
0xce: {  	[tilespmem:s14+$0x14E0] =	vst v5  }
0xcf: {  	v5 =	vld.idx.msk [tilespmem:v6+s9+$0x0], $0xffff  }
.Ltmp3:
0xd0: {  	s16 =	sadd.s32 $0xF0, s16;
	(pc) =	sbr.rel @p1 .LBB2_6-.Ltmp3, $2  }
0xd1: {  	v6 =	vadd.s32 s16, v0;
	_ =	sdelay $0x2  }
0xd2: {  	s15 =	sadd.s32 $0x1, s15;
	s16 =	sshll.u32 s13, $0x4  }
.LBB2_7:
0xd3: {  	_ =	sdelay $0x1  }
0xd4: {  	s17 =	sand.u32 $0x7, s13;
	s15 =	sand.u32 $0xFFFFFF80, s16  }
0xd5: {  	[tilespmem:s14+$0x14F0] =	vst @p0 v5;
	s15 =	sor.u32 s15, s17  }
0xd6: {  	v5 =	vld.idx.msk @p0 [tilespmem:v6+s9+$0x0], $0xffff;
	s15 =	sxor.u32 $0x7, s15  }
0xd7: {  	v6 =	vadd.s32 s15, v0;
	_ =	sdelay $0x3  }
0xd8: {  	[tilespmem:s14+$0x1500] =	vst @p0 v5  }
0xd9: {  	s31 =	sor.u32 $0x10, s15;
	v5 =	vld.idx.msk [tilespmem:v6+s9+$0x0], $0xffff  }
0xda: {  	v6 =	vadd.s32 s31, v0  }
0xdb: {  	s14 =	sshll.u32 s13, $0x8  }
0xdc: {  	s16 =	sshll.u32 s17, $0x8;
	s13 =	sand.u32 $0x3FFFF800, s14  }
0xdd: {  	s13 =	sor.u32 s16, s13  }
0xde: {  	[tilespmem:s13+$0x1410] =	vst v5  }
0xdf: {  	s17 =	sor.u32 $0x20, s15;
	v5 =	vld.idx.msk [tilespmem:v6+s9+$0x0], $0xffff  }
0xe0: {  	v6 =	vadd.s32 s17, v0;
	_ =	sdelay $0x3  }
0xe1: {  	[tilespmem:s13+$0x1420] =	vst v5  }
0xe2: {  	s18 =	sor.u32 $0x30, s15;
	v5 =	vld.idx.msk [tilespmem:v6+s9+$0x0], $0xffff  }
0xe3: {  	v6 =	vadd.s32 s18, v0;
	_ =	sdelay $0x3  }
0xe4: {  	[tilespmem:s13+$0x1430] =	vst v5  }
0xe5: {  	s19 =	sor.u32 $0x40, s15;
	v5 =	vld.idx.msk [tilespmem:v6+s9+$0x0], $0xffff  }
0xe6: {  	v6 =	vadd.s32 s19, v0;
	_ =	sdelay $0x3  }
0xe7: {  	[tilespmem:s13+$0x1440] =	vst v5  }
0xe8: {  	s20 =	sor.u32 $0x50, s15;
	v5 =	vld.idx.msk [tilespmem:v6+s9+$0x0], $0xffff  }
0xe9: {  	v6 =	vadd.s32 s20, v0;
	_ =	sdelay $0x3  }
0xea: {  	[tilespmem:s13+$0x1450] =	vst v5  }
0xeb: {  	s21 =	sor.u32 $0x60, s15;
	v5 =	vld.idx.msk [tilespmem:v6+s9+$0x0], $0xffff  }
0xec: {  	v6 =	vadd.s32 s21, v0;
	_ =	sdelay $0x3  }
0xed: {  	[tilespmem:s13+$0x1460] =	vst v5  }
0xee: {  	s22 =	sor.u32 $0x70, s15;
	v5 =	vld.idx.msk [tilespmem:v6+s9+$0x0], $0xffff  }
0xef: {  	v6 =	vadd.s32 s22, v0;
	_ =	sdelay $0x3  }
0xf0: {  	[tilespmem:s13+$0x1470] =	vst v5  }
0xf1: {  	s23 =	sadd.s32 $0x80, s15;
	v5 =	vld.idx.msk [tilespmem:v6+s9+$0x0], $0xffff  }
0xf2: {  	v6 =	vadd.s32 s23, v0;
	_ =	sdelay $0x3  }
0xf3: {  	[tilespmem:s13+$0x1480] =	vst v5  }
0xf4: {  	s24 =	sadd.s32 $0x90, s15;
	v5 =	vld.idx.msk [tilespmem:v6+s9+$0x0], $0xffff  }
0xf5: {  	v6 =	vadd.s32 s24, v0;
	_ =	sdelay $0x3  }
0xf6: {  	[tilespmem:s13+$0x1490] =	vst v5  }
0xf7: {  	s25 =	sadd.s32 $0xA0, s15;
	v5 =	vld.idx.msk [tilespmem:v6+s9+$0x0], $0xffff  }
0xf8: {  	v6 =	vadd.s32 s25, v0;
	_ =	sdelay $0x3  }
0xf9: {  	[tilespmem:s13+$0x14A0] =	vst v5  }
0xfa: {  	s26 =	sadd.s32 $0xB0, s15;
	v5 =	vld.idx.msk [tilespmem:v6+s9+$0x0], $0xffff  }
0xfb: {  	v6 =	vadd.s32 s26, v0;
	_ =	sdelay $0x3  }
0xfc: {  	[tilespmem:s13+$0x14B0] =	vst v5  }
0xfd: {  	s28 =	sadd.s32 $0xC0, s15;
	v5 =	vld.idx.msk [tilespmem:v6+s9+$0x0], $0xffff  }
0xfe: {  	v6 =	vadd.s32 s28, v0;
	_ =	sdelay $0x3  }
0xff: {  	[tilespmem:s13+$0x14C0] =	vst v5  }
0x100: {  	s29 =	sadd.s32 $0xD0, s15;
	v5 =	vld.idx.msk [tilespmem:v6+s9+$0x0], $0xffff  }
0x101: {  	v6 =	vadd.s32 s29, v0;
	_ =	sdelay $0x3  }
0x102: {  	[tilespmem:s13+$0x14D0] =	vst v5  }
0x103: {  	s30 =	sadd.s32 $0xE0, s15;
	v5 =	vld.idx.msk [tilespmem:v6+s9+$0x0], $0xffff  }
0x104: {  	v6 =	vadd.s32 s30, v0;
	_ =	sdelay $0x3  }
0x105: {  	[tilespmem:s13+$0x14E0] =	vst v5  }
0x106: {  	s31 =	sadd.s32 $0xF0, s15;
	v5 =	vld.idx.msk [tilespmem:v6+s9+$0x0], $0xffff  }
0x107: {  	v6 =	vadd.s32 s31, v0;
	_ =	sdelay $0x3  }
0x108: {  	[tilespmem:s13+$0x14F0] =	vst v5  }
0x109: {  	v5 =	vld.idx.msk [tilespmem:v6+s9+$0x0], $0xffff;
	_ =	sdelay $0x4  }
0x10a: {  	s14 =	simm.s32 $0x7F0;
	[tilespmem:s13+$0x1500] =	vst v5;
	s13 =	simm.s32 $0x7F00  }
.LBB2_8:
0x10b: {  	s15 =	sshll.u32 s13, $0x2;
	s16 =	sshll.u32 s14, $0x2  }
0x10c: {  	s15 =	sand.u32 $0xFFFFE000, s15;
	s17 =	sand.u32 $0x1C0, s16;
	s16 =	sshll.u32 s12, $0xF  }
0x10d: {  	s15 =	sor.u32 s17, s15;
	s31 =	sor.u32 s5, s16  }
0x10e: {  	s18 =	sshrl.u32 s15, $0x2;
	s19 =	sshrl.u32 s31, $0x3  }
0x10f: {  	s15 =	sadd.s32 $0x1410, s18;
	s17 =	sadd.s32 $0x1418, s18;
	s18 =	sadd.s32 s2, s19  }
0x110: {  	s19 =	simm.s32 $0x10;
	s21 =	sadd.s32 $0x0, s18;
	s20 =	sadd.s32 $0x100, s17  }
.LBB2_9:
0x111: {  	[hbm4b:s21+s3] =	stream.linear.scatter [tilespmem:s17], [sflag:$0x1], $0x80, $0x38;
	[tilespmem:$0x10C10] =	vst v63  }
0x112: {  	s21 =	smov.u32 s19;
	s17 =	smov.u32 s20;
	p0 =	sne.s32 s19, $0x7F0  }
.Ltmp4:
0x113: {  	s19 =	sadd.s32 $0x10, s19;
	(pc) =	sbr.rel @p0 .LBB2_9-.Ltmp4, $2  }
0x114: {  	_ =	sdelay $0x2  }
0x115: {  	s20 =	sadd.s32 $0x100, s20;
	s21 =	sadd.s32 s21, s18  }
0x116: {  	[hbm4b:s21+s3] =	stream.linear.scatter [tilespmem:s17], [sflag:$0x1], $0x80, $0x38;
	[tilespmem:$0x10C10] =	vst v63  }
0x117: {  	s16 =	sor.u32 s6, s16  }
0x118: {  	s16 =	sshrl.u32 s16, $0x3  }
0x119: {  	s16 =	sadd.s32 s2, s16  }
0x11a: {  	s17 =	simm.s32 $0x10;
	s18 =	sadd.s32 $0x100, s15;
	s19 =	sadd.s32 $0x0, s16  }
.LBB2_11:
0x11b: {  	[hbm4b:s19+s3] =	stream.linear.scatter [tilespmem:s15], [sflag:$0x1], $0x80, $0x38;
	[tilespmem:$0x10C10] =	vst v63  }
0x11c: {  	s19 =	smov.u32 s17;
	s15 =	smov.u32 s18;
	p0 =	sne.s32 s17, $0x7F0  }
.Ltmp5:
0x11d: {  	s17 =	sadd.s32 $0x10, s17;
	(pc) =	sbr.rel @p0 .LBB2_11-.Ltmp5, $2  }
0x11e: {  	_ =	sdelay $0x2  }
0x11f: {  	s18 =	sadd.s32 $0x100, s18;
	s19 =	sadd.s32 s19, s16  }
0x120: {  	[hbm4b:s19+s3] =	stream.linear.scatter [tilespmem:s15], [sflag:$0x1], $0x80, $0x38;
	[tilespmem:$0x10C10] =	vst v63  }
0x121: {  	p0 =	slt.u32 s12, $0x4  }
0x122: {  	s12 =	sadd.s32 $0x1, s12;
	s15 =	simm.s32 @!p0 $0x1  }
0x123: {  	p1 =	sne.s32 s12, $0x80;
	_ =	swait.ge @!p0 [sflag:s15], $0x4000  }
.Ltmp6:
0x124: {  	[sflag:s15] =	ssyncset.done @!p0 $0x0;
	(pc) =	sbr.rel @p1 .LBB2_8-.Ltmp6, $4  }
0x125: {  	[sflag:s15] =	ssyncadd.s32 @!p0 $0xFFFFC000  }
0x126: {  	_ =	swait.ge @!p0 [sflag:s15], $0x4000  }
0x127: {  	[sflag:s15] =	ssyncset.done @!p0 $0x0  }
0x128: {  	s13 =	sadd.s32 $0xFFFFFF00, s13;
	s14 =	sadd.s32 $0xFFFFFFF0, s14;
	[sflag:s15] =	ssyncadd.s32 @!p0 $0xFFFFC000  }
0x129: {  	_ =	swait.ge [sflag:s10], $0x4000  }
0x12a: {  	[sflag:s10] =	ssyncset.done $0x0  }
0x12b: {  	[sflag:s10] =	ssyncadd.s32 $0xFFFFC000  }
0x12c: {  	_ =	swait.ge [sflag:s10], $0x4000  }
0x12d: {  	[sflag:s10] =	ssyncset.done $0x0  }
0x12e: {  	[sflag:s10] =	ssyncadd.s32 $0xFFFFC000  }
0x12f: {  	_ =	swait.ge [sflag:s10], $0x4000  }
0x130: {  	[sflag:s10] =	ssyncset.done $0x0  }
0x131: {  	[sflag:s10] =	ssyncadd.s32 $0xFFFFC000  }
0x132: {  	_ =	swait.ge [sflag:s10], $0x4000  }
0x133: {  	[sflag:s10] =	ssyncset.done $0x0  }
0x134: {  	[sflag:s10] =	ssyncadd.s32 $0xFFFFC000  }
0x135: {  	_ =	swait.ge [sflag:s10], $0x4000  }
0x136: {  	[sflag:s10] =	ssyncset.done $0x0  }
0x137: {  	[sflag:s10] =	ssyncadd.s32 $0xFFFFC000  }
0x138: {  	_ =	swait.ge [sflag:s10], $0x4000  }
0x139: {  	[sflag:s10] =	ssyncset.done $0x0  }
0x13a: {  	s11 =	sadd.s32 $0x1, s11;
	[sflag:s10] =	ssyncadd.s32 $0xFFFFC000  }
0x13b: {  	p0 =	sne.s32 s11, s7;
	_ =	swait.ge [sflag:s10], $0x4000  }
.Ltmp7:
0x13c: {  	[sflag:s10] =	ssyncset.done $0x0;
	(pc) =	sbr.rel @p0 .LBB2_1-.Ltmp7, $4  }
.Ltmp8:
0x13d: {  	[sflag:s10] =	ssyncadd.s32 $0xFFFFC000;
	(pc) =	sbr.rel @!p0 .LBB2_14-.Ltmp8, $4  }
0x13e: {  	_ =	swait.ge [sflag:s10], $0x4000  }
0x13f: {  	[sflag:s10] =	ssyncset.done $0x0  }
0x140: {  	[sflag:s10] =	ssyncadd.s32 $0xFFFFC000  }
0x141: {  	_ = 	snop  }
.LBB2_4:
.Ltmp9:
0x142: {  	(pc) =	sbr.rel .LBB2_7-.Ltmp9, $2  }
0x143: {  	_ =	sdelay $0x2  }
0x144: {  	s13 =	simm.s32 $0x0  }
.LBB2_14:
0x145: {  	_ =	sfence.sel $0x180000  }
0x146: {  	[bflag:$0x0] =	sbarrier.arrive $0xFFFF  }
0x147: {  	p0 =	sne.s32 s1, $0x0;
	_ =	strace $0x90000047  }
0x148: {  	s0 =	sadd.s32 @!p0 $0x100000, s0;
	[bflag:$0x2] =	sbarrier.arrive $0xFFFF  }
0x149: {  	[sflag:s0] =	ssyncadd.tile.s32 @!p0 $0x1;
	_ =	shalt  }
.Lfunc_end2:
_tile_overlayer_lowered:
.L_overlay_start_2:
0x14a: {  	(tag) =	ssettag $0x2  }
0x14b: {  	s0 =	rddreg [dreg:$0x0];
	s2 =	stileid.u32  }
0x14c: {  	s1 =	rddreg [dreg:$0x1];
	p0 =	sne.s32 s2, $0x0  }
0x14d: {  	s3 =	rddreg [dreg:$0x2];
	[bflag:$0x3] =	sbarrier.arrive $0xFFFF;
	s2 =	simm.s32 @!p0 $0x1C02  }
0x14e: {  	[timem:s3], [sflag:s2] =	dma.local @!p0 [hbm:s0], s1  }
0x14f: {  	s0 =	simm.s32 @!p0 $0x2  }
0x150: {  	_ =	swait.ge @!p0 [sflag:s0], s1  }
0x151: {  	s1 =	ssub.s32 @!p0 $0x0, s1;
	[sflag:s0] =	ssyncset.done @!p0 $0x0  }
0x152: {  	[sflag:s0] =	ssyncadd.s32 @!p0 s1  }
0x153: {  	[bflag:$0x3] =	sbarrier.arrive $0xFFFF  }
0x154: {  	_ =	shalt  }

</sc_bundles>
